<compile_context>
chip_gen: v7x
topology: tpu7x:2x2x1
jax: 0.10.2.dev20260603
libtpu: 0.0.44.dev20260713+nightly
codegen_flags: <defaults>
</compile_context>

<pallas_src>
import functools

import numpy as np

import jax
import jax.numpy as jnp
from jax import lax
from jax.experimental import pallas as pl
from jax.experimental.pallas import tpu as pltpu
from jax.experimental.pallas import tpu_sc as plsc

D_MODEL = 768
N_EXPERTS = 64
D_FF = 1024
N_TOKENS = 2048
LANES = 128

TM = 128
N_TILES = N_TOKENS // TM
P_PAIRS = N_TILES + N_EXPERTS

_NC = 2
_NS = 16
_NW = _NC * _NS
_BPW = N_TOKENS // _NW


CHUNK = 256


def _router_body(x_ref, wr_ref, maskp_ref, tril_ref, mstrict_ref, trilp_ref,
                 logits_ref, sel_ref, wtop_ref, pos_ref, meta_ref):
    x = x_ref[...]
    logits = jnp.dot(x, wr_ref[...], preferred_element_type=jnp.float32)
    logits = logits * maskp_ref[...]
    logits_ref[...] = logits
    col = lax.broadcasted_iota(jnp.int32, (N_TOKENS, LANES), 1)
    scores = jnp.where(col > N_EXPERTS, -1e30, logits)
    m = jnp.max(scores, axis=1, keepdims=True)
    ex = jnp.exp(scores - m)
    s = jnp.sum(ex, axis=1, keepdims=True)
    wtop_ref[...] = 1.0 / s
    idx = jnp.where(scores >= m, col, LANES)
    sel = jnp.min(idx, axis=1, keepdims=True)
    sel_ref[...] = sel

    onehot = (col == sel).astype(jnp.float32)
    tril = tril_ref[...]
    carry = jnp.zeros((1, LANES), jnp.float32)
    ranks = []
    for cidx in range(N_TOKENS // CHUNK):
        blk = onehot[cidx * CHUNK:(cidx + 1) * CHUNK]
        cumc = jnp.dot(tril, blk, preferred_element_type=jnp.float32) + carry
        ranks.append(jnp.sum(cumc * blk, axis=1, keepdims=True))
        carry = cumc[CHUNK - 1:CHUNK, :]
    g = carry
    rank = jnp.concatenate(ranks, axis=0) - 1.0
    starts = jnp.dot(g, mstrict_ref[...], preferred_element_type=jnp.float32,
                     precision=lax.Precision.HIGHEST)
    pos = jnp.sum(starts * onehot, axis=1, keepdims=True) + rank
    pos_ref[...] = pos.astype(jnp.int32)

    ends = starts + g
    lane = col[0:1, :].astype(jnp.float32)
    t_lo = jnp.floor(starts * (1.0 / TM))
    t_hi = jnp.floor((ends - 1.0) * (1.0 / TM))
    cnt = jnp.where(g > 0, t_hi - t_lo + 1.0, 0.0)
    ccum_end = jnp.dot(cnt, mstrict_ref[...], preferred_element_type=jnp.float32,
                       precision=lax.Precision.HIGHEST) + cnt
    ccum_start = ccum_end - cnt
    total = jnp.sum(cnt, axis=1, keepdims=True)
    prow = lax.broadcasted_iota(jnp.int32, (P_PAIRS, 1), 0).astype(jnp.float32)
    lane_ok = lane <= N_EXPERTS
    e_of_p = jnp.sum(((ccum_end <= prow) & lane_ok).astype(jnp.float32),
                     axis=1, keepdims=True)
    e = jnp.minimum(e_of_p, float(N_EXPERTS))
    onehot_e = (lane == e).astype(jnp.float32)

    def gath(row):
        return jnp.sum(onehot_e * row, axis=1, keepdims=True)

    j = prow - gath(ccum_start)
    t = jnp.clip(gath(t_lo) + j, 0.0, float(N_TILES - 1))
    is_pad = prow >= total
    tid = jnp.where(is_pad, float(N_TILES - 1), t)
    real = jnp.logical_and(~is_pad, e < float(N_EXPERTS))
    rs = jnp.where(real, jnp.clip(gath(starts) - tid * TM, 0.0, float(TM)), 0.0)
    re = jnp.where(real, jnp.clip(gath(ends) - tid * TM, 0.0, float(TM)), 0.0)
    el = jnp.minimum(e, float(N_EXPERTS - 1))
    flag = jnp.where(jnp.logical_and(real, j == 0.0), 1.0, 0.0)
    cumflag = jnp.dot(trilp_ref[...], flag, preferred_element_type=jnp.float32,
                      precision=lax.Precision.HIGHEST)
    slotf = jnp.maximum(cumflag - 1.0, 0.0)
    slot = slotf - NBUF * jnp.floor(slotf * (1.0 / NBUF))
    mcol = lax.broadcasted_iota(jnp.int32, (P_PAIRS, 8), 1)
    fields = [tid, el, rs, re, flag, slot]
    meta = jnp.zeros((P_PAIRS, 8), jnp.float32)
    for k, f in enumerate(fields):
        meta = meta + jnp.where(mcol == k, f, 0.0)
    meta_ref[...] = meta.astype(jnp.int32)


def _router(x, W_router, mask):
    wr_pad = jnp.zeros((D_MODEL, LANES), jnp.float32).at[:, :N_EXPERTS].set(W_router)
    maskp = jnp.concatenate(
        [mask.astype(jnp.float32), jnp.ones((LANES - N_EXPERTS,), jnp.float32)]
    ).reshape(1, LANES)
    tril = jnp.asarray(np.tril(np.ones((CHUNK, CHUNK), np.float32)))
    mstrict = jnp.asarray(
        np.triu(np.ones((LANES, LANES), np.float32), 1))
    trilp = jnp.asarray(np.tril(np.ones((P_PAIRS, P_PAIRS), np.float32)))
    return pl.pallas_call(
        _router_body,
        out_shape=(
            jax.ShapeDtypeStruct((N_TOKENS, LANES), jnp.float32),
            jax.ShapeDtypeStruct((N_TOKENS, 1), jnp.int32),
            jax.ShapeDtypeStruct((N_TOKENS, 1), jnp.float32),
            jax.ShapeDtypeStruct((N_TOKENS, 1), jnp.int32),
            jax.ShapeDtypeStruct((P_PAIRS, 8), jnp.int32),
        ),
    )(x, wr_pad, maskp, tril, mstrict, trilp)


def _route_metadata(sel):
    onehot = (sel[:, None] == jnp.arange(N_EXPERTS + 1, dtype=jnp.int32)[None, :])
    cum = jnp.cumsum(onehot.astype(jnp.int32), axis=0)
    g = cum[-1]
    ends = jnp.cumsum(g)
    starts = ends - g
    rank = jnp.take_along_axis(cum, sel[:, None], axis=1)[:, 0] - 1
    pos = starts[sel] + rank
    nonempty = g > 0
    t_lo = starts // TM
    t_hi = (ends - 1) // TM
    c = jnp.where(nonempty, t_hi - t_lo + 1, 0)
    ccum_end = jnp.cumsum(c)
    ccum_start = ccum_end - c
    total = ccum_end[-1]
    p = jnp.arange(P_PAIRS, dtype=jnp.int32)
    e = jnp.clip(jnp.searchsorted(ccum_end, p, side="right"), 0, N_EXPERTS).astype(jnp.int32)
    j = p - ccum_start[e]
    t = jnp.clip(t_lo[e] + j, 0, N_TILES - 1)
    is_pad = p >= total
    tid = jnp.where(is_pad, N_TILES - 1, t)
    real = (~is_pad) & (e < N_EXPERTS)
    rs = jnp.where(real, jnp.clip(starts[e] - tid * TM, 0, TM), 0)
    re = jnp.where(real, jnp.clip(ends[e] - tid * TM, 0, TM), 0)
    el = jnp.minimum(e, N_EXPERTS - 1)
    flag = (real & (j == 0)).astype(jnp.int32)
    slot = jnp.maximum(jnp.cumsum(flag) - 1, 0).astype(jnp.int32) % NBUF
    return pos, tid, el, rs, re, flag, slot


NBUF = 4


def _gmm_body(meta_ref,
              xs_ref, b1_ref, b2_ref, w1_hbm, w2_hbm, out_ref,
              w1_buf, w2_buf, sem1, sem2):
    p = pl.program_id(0)

    def fetch(step):
        s = meta_ref[step, 5]
        e = meta_ref[step, 1]
        pltpu.make_async_copy(w1_hbm.at[e], w1_buf.at[s], sem1.at[s]).start()
        pltpu.make_async_copy(w2_hbm.at[e], w2_buf.at[s], sem2.at[s]).start()

    @pl.when(p == 0)
    def _prologue():
        for i in range(NBUF - 1):
            @pl.when(meta_ref[i, 4] == 1)
            def _f(i=i):
                fetch(i)

    q = jnp.minimum(p + NBUF - 1, P_PAIRS - 1)

    @pl.when((p + NBUF - 1 < P_PAIRS) & (meta_ref[q, 4] == 1))
    def _issue():
        fetch(q)

    s = meta_ref[p, 5]
    e = meta_ref[p, 1]

    @pl.when(meta_ref[p, 4] == 1)
    def _wait():
        pltpu.make_async_copy(w1_hbm.at[e], w1_buf.at[s], sem1.at[s]).wait()
        pltpu.make_async_copy(w2_hbm.at[e], w2_buf.at[s], sem2.at[s]).wait()

    first = jnp.logical_or(p == 0, meta_ref[p, 0] != meta_ref[jnp.maximum(p - 1, 0), 0])
    rs = meta_ref[p, 2]
    re = meta_ref[p, 3]

    @pl.when(first)
    def _init():
        out_ref[...] = jnp.zeros_like(out_ref)

    @pl.when(re > rs)
    def _compute():
        rows = lax.broadcasted_iota(jnp.int32, (TM, 1), 0)
        scale = jnp.where((rows >= rs) & (rows < re), 1.0, 0.0)
        h = jnp.dot(xs_ref[...], w1_buf[s], preferred_element_type=jnp.float32)
        h = jax.nn.gelu(h + b1_ref[pl.ds(e, 1), :])
        o = jnp.dot(h, w2_buf[s], preferred_element_type=jnp.float32)
        o = o + b2_ref[pl.ds(e, 1), :]
        out_ref[...] += scale * o


def _gmm(meta, xs, W1, b1, W2, b2):
    grid_spec = pltpu.PrefetchScalarGridSpec(
        num_scalar_prefetch=1,
        grid=(P_PAIRS,),
        in_specs=[
            pl.BlockSpec((TM, D_MODEL), lambda p, m: (m[p, 0], 0)),
            pl.BlockSpec((N_EXPERTS, D_FF), lambda p, m: (0, 0)),
            pl.BlockSpec((N_EXPERTS, D_MODEL), lambda p, m: (0, 0)),
            pl.BlockSpec(memory_space=pl.ANY),
            pl.BlockSpec(memory_space=pl.ANY),
        ],
        out_specs=pl.BlockSpec((TM, D_MODEL), lambda p, m: (m[p, 0], 0)),
        scratch_shapes=[
            pltpu.VMEM((NBUF, D_MODEL, D_FF), jnp.float32),
            pltpu.VMEM((NBUF, D_FF, D_MODEL), jnp.float32),
            pltpu.SemaphoreType.DMA((NBUF,)),
            pltpu.SemaphoreType.DMA((NBUF,)),
        ],
    )
    return pl.pallas_call(
        _gmm_body,
        grid_spec=grid_spec,
        out_shape=jax.ShapeDtypeStruct((N_TOKENS, D_MODEL), jnp.float32),
        compiler_params=pltpu.CompilerParams(
            dimension_semantics=("arbitrary",),
        ),
    )(meta, xs, b1, b2, W1, W2)


def _sc_gather_body(table_hbm, idx_hbm, out_hbm, idx_v, rows_v, sem):
    wid = lax.axis_index("s") * _NC + lax.axis_index("c")
    base = wid * _BPW
    pltpu.sync_copy(idx_hbm.at[pl.ds(base, _BPW)], idx_v)
    pltpu.async_copy(table_hbm.at[idx_v], rows_v, sem).wait()
    pltpu.sync_copy(rows_v, out_hbm.at[pl.ds(base, _BPW)])


def _sc_scatter_body(table_hbm, idx_hbm, out_hbm, idx_v, rows_v, sem):
    wid = lax.axis_index("s") * _NC + lax.axis_index("c")
    base = wid * _BPW
    pltpu.sync_copy(idx_hbm.at[pl.ds(base, _BPW)], idx_v)
    pltpu.sync_copy(table_hbm.at[pl.ds(base, _BPW)], rows_v)
    pltpu.async_copy(rows_v, out_hbm.at[idx_v], sem).wait()


def _sc_scatter(table, idx):
    mesh = plsc.VectorSubcoreMesh(
        core_axis_name="c", subcore_axis_name="s", num_cores=_NC, num_subcores=_NS)
    k = functools.partial(
        pl.kernel,
        mesh=mesh,
        out_type=jax.ShapeDtypeStruct((N_TOKENS, D_MODEL), jnp.float32),
        scratch_types=[
            pltpu.VMEM((_BPW,), jnp.int32),
            pltpu.VMEM((_BPW, D_MODEL), jnp.float32),
            pltpu.SemaphoreType.DMA,
        ],
    )(_sc_scatter_body)
    return k(table, idx)


def _sc_gather(table, idx):
    mesh = plsc.VectorSubcoreMesh(
        core_axis_name="c", subcore_axis_name="s", num_cores=_NC, num_subcores=_NS)
    k = functools.partial(
        pl.kernel,
        mesh=mesh,
        out_type=jax.ShapeDtypeStruct((N_TOKENS, D_MODEL), jnp.float32),
        scratch_types=[
            pltpu.VMEM((_BPW,), jnp.int32),
            pltpu.VMEM((_BPW, D_MODEL), jnp.float32),
            pltpu.SemaphoreType.DMA,
        ],
    )(_sc_gather_body)
    return k(table, idx)


def kernel(inputs, mask, W_router, W1, b1, W2, b2):
    x = inputs.reshape(N_TOKENS, D_MODEL)
    logits_pad, sel2d, wtop, pos2d, meta = _router(x, W_router, mask)
    pos = pos2d.reshape(N_TOKENS)
    xs = _sc_scatter(x, pos)
    ys = _gmm(meta, xs, W1, b1, W2, b2)
    out = _sc_gather(ys, pos)
    results = (out * wtop).reshape(inputs.shape)
    return (results, logits_pad[:, :N_EXPERTS + 1], sel2d)

# --- scband reference (transcript-rebuilt; emitter-appended) ---
"""Pipeline reference for scband-masked-mo-e-30897994727625 (READ-ONLY COPY).

The authoritative reference and input builder live on the scoring server;
editing this copy changes nothing except your own understanding.
"""

import jax, jax.numpy as jnp
import numpy as np

D_MODEL = 768
N_EXPERTS = 64
D_FF = 1024
TOP_K = 1


def setup_inputs(seed: int = 0) -> dict:
    key = jax.random.key(seed)
    k = jax.random.split(key, 6)
    inputs = jax.random.normal(k[0], (1, 2048, D_MODEL), dtype=jnp.float32)
    mask = jnp.ones((N_EXPERTS,), dtype=jnp.float32)
    W_router = jax.random.normal(k[1], (D_MODEL, N_EXPERTS), dtype=jnp.float32) * 0.02
    W1 = jax.random.normal(k[2], (N_EXPERTS, D_MODEL, D_FF), dtype=jnp.float32) * 0.02
    b1 = jnp.zeros((N_EXPERTS, D_FF), dtype=jnp.float32)
    W2 = jax.random.normal(k[3], (N_EXPERTS, D_FF, D_MODEL), dtype=jnp.float32) * 0.02
    b2 = jnp.zeros((N_EXPERTS, D_MODEL), dtype=jnp.float32)
    return {"inputs": inputs, "mask": mask, "W_router": W_router,
            "W1": W1, "b1": b1, "W2": W2, "b2": b2}


def reference(inputs, mask, W_router, W1, b1, W2, b2):
    # inputs: [B, S, D]; mask: [E] multiplicative mask on router logits.
    x = inputs.reshape(-1, inputs.shape[-1])  # [N, D]
    router_logits = x @ W_router              # [N, E]
    router_logits = router_logits * mask[None, :]
    # MaskedMoE appends a dummy expert with zero logit (torch.cat with 0),
    # taking the generic (sum_of_logits >= 1e-20) branch.
    router_logits = jnp.concatenate(
        [router_logits, jnp.zeros((x.shape[0], 1), dtype=router_logits.dtype)], axis=1)
    # softmax_order == 'softmax_topk'
    all_probs = jax.nn.softmax(router_logits, axis=1)
    weights, selected_experts = jax.lax.top_k(all_probs, TOP_K)  # [N, K]
    results = jnp.zeros_like(x)
    for i in range(N_EXPERTS + 1):
        # weight of expert i for each token (0 if not selected)
        w_i = jnp.sum(weights * (selected_experts == i).astype(weights.dtype), axis=-1)  # [N]
        if i < N_EXPERTS:
            h = jax.nn.gelu(x @ W1[i] + b1[i])
            out = h @ W2[i] + b2[i]
        else:
            # DummyExpert returns zeros of shape (n_embd,) -> contributes nothing
            out = jnp.zeros_like(x)
        results = results + w_i[:, None] * out
    return (results.reshape(inputs.shape), router_logits, selected_experts)

if __name__ == "__main__":
    import jax
    _d = setup_inputs()
    print(jax.jit(kernel)(*tuple(_d.values())))

</pallas_src>

<mosaic_0001>
#map = affine_map<(d0, d1) -> (0, 0)>
#map1 = affine_map<(d0, d1) -> (0)>
module attributes {stable_mosaic.version = 14 : i64} {
  func.func @_sc_gather_body(%arg0: i32, %arg1: i32, %arg2: memref<2048x768xf32, #tpu.memory_space<hbm>>, %arg3: memref<2048xi32, #tpu.memory_space<hbm>>, %arg4: memref<2048x768xf32, #tpu.memory_space<hbm>>, %arg5: memref<64xi32, #tpu.memory_space<vmem>>, %arg6: memref<64x768xf32, #tpu.memory_space<vmem>>, %arg7: memref<!tpu.dma_semaphore, #tpu.memory_space<semaphore_mem>>) attributes {dimension_semantics = [#tpu.dimension_semantics<core_parallel>, #tpu.dimension_semantics<subcore_parallel>], iteration_bounds = array<i64: 2, 16>, scalar_prefetch = 0 : i64, scratch_operands = 3 : i64, tpu.core_type = #tpu.core_type<sc_vector_subcore>, window_params = [{transform_indices = #map}, {transform_indices = #map1}, {transform_indices = #map}]} {
    %mul3A = arith.constant 2 : i32
    %mul3A_0 = arith.muli %arg1, %mul3A : i32
    %add3A = arith.addi %mul3A_0, %arg0 : i32
    %mul3A_1 = arith.constant 64 : i32
    %mul3A_2 = arith.muli %add3A, %mul3A_1 : i32
    "tpu.region"() ({
      %run_scoped3A = tpu.sem_alloc : memref<!tpu.dma_semaphore, #tpu.memory_space<semaphore_mem>>
      %dma_start3A_7 = tpu.memref_slice %arg3[%mul3A_2] : memref<2048xi32, #tpu.memory_space<hbm>> -> memref<64xi32, #tpu.memory_space<hbm>>
      %dma_start3A_8 = tpu.memref_slice %arg3[%mul3A_2] : memref<2048xi32, #tpu.memory_space<hbm>> -> memref<64xi32, #tpu.memory_space<hbm>>
      tpu.enqueue_dma source(%dma_start3A_8 : memref<64xi32, #tpu.memory_space<hbm>>) target(%arg5 : memref<64xi32, #tpu.memory_space<vmem>>) target_semaphore(%run_scoped3A : memref<!tpu.dma_semaphore, #tpu.memory_space<semaphore_mem>>)
      %dma_wait3A_9 = tpu.memref_slice %arg3[%mul3A_2] : memref<2048xi32, #tpu.memory_space<hbm>> -> memref<64xi32, #tpu.memory_space<hbm>>
      %dma_wait3A_10 = tpu.memref_slice %arg3[%mul3A_2] : memref<2048xi32, #tpu.memory_space<hbm>> -> memref<64xi32, #tpu.memory_space<hbm>>
      tpu.wait_dma2 semaphore(%run_scoped3A : memref<!tpu.dma_semaphore, #tpu.memory_space<semaphore_mem>>) src(%dma_wait3A_10 : memref<64xi32, #tpu.memory_space<hbm>>) dst(%arg5 : memref<64xi32, #tpu.memory_space<vmem>>)
      tpu.yield
    }) : () -> ()
    %dma_start3A = arith.constant 0 : i32
    %dma_start3A_3 = arith.constant 0 : i32
    %dma_start3A_4 = tpu.memref_slice %arg2[%dma_start3A, %dma_start3A_3] : memref<2048x768xf32, #tpu.memory_space<hbm>> -> memref<2048x768xf32, #tpu.memory_space<hbm>>
    tpu.enqueue_indirect_dma source(%dma_start3A_4 : memref<2048x768xf32, #tpu.memory_space<hbm>>) target(%arg6 : memref<64x768xf32, #tpu.memory_space<vmem>>) offsets(%arg5 : memref<64xi32, #tpu.memory_space<vmem>>) semaphore(%arg7 : memref<!tpu.dma_semaphore, #tpu.memory_space<semaphore_mem>>)
    %dma_wait3A = arith.constant 0 : i32
    %dma_wait3A_5 = arith.constant 0 : i32
    %dma_wait3A_6 = tpu.memref_slice %arg2[%dma_wait3A, %dma_wait3A_5] : memref<2048x768xf32, #tpu.memory_space<hbm>> -> memref<2048x768xf32, #tpu.memory_space<hbm>>
    tpu.wait_indirect_dma semaphore(%arg7 : memref<!tpu.dma_semaphore, #tpu.memory_space<semaphore_mem>>) src(%dma_wait3A_6 : memref<2048x768xf32, #tpu.memory_space<hbm>>) dst(%arg6 : memref<64x768xf32, #tpu.memory_space<vmem>>)
    "tpu.region"() ({
      %run_scoped3A = tpu.sem_alloc : memref<!tpu.dma_semaphore, #tpu.memory_space<semaphore_mem>>
      %dma_start3A_7 = arith.constant 0 : i32
      %dma_start3A_8 = tpu.memref_slice %arg4[%mul3A_2, %dma_start3A_7] : memref<2048x768xf32, #tpu.memory_space<hbm>> -> memref<64x768xf32, #tpu.memory_space<hbm>>
      %dma_start3A_9 = arith.constant 0 : i32
      %dma_start3A_10 = tpu.memref_slice %arg4[%mul3A_2, %dma_start3A_9] : memref<2048x768xf32, #tpu.memory_space<hbm>> -> memref<64x768xf32, #tpu.memory_space<hbm>>
      tpu.enqueue_dma source(%arg6 : memref<64x768xf32, #tpu.memory_space<vmem>>) target(%dma_start3A_10 : memref<64x768xf32, #tpu.memory_space<hbm>>) target_semaphore(%run_scoped3A : memref<!tpu.dma_semaphore, #tpu.memory_space<semaphore_mem>>)
      %dma_wait3A_11 = arith.constant 0 : i32
      %dma_wait3A_12 = tpu.memref_slice %arg4[%mul3A_2, %dma_wait3A_11] : memref<2048x768xf32, #tpu.memory_space<hbm>> -> memref<64x768xf32, #tpu.memory_space<hbm>>
      %dma_wait3A_13 = arith.constant 0 : i32
      %dma_wait3A_14 = tpu.memref_slice %arg4[%mul3A_2, %dma_wait3A_13] : memref<2048x768xf32, #tpu.memory_space<hbm>> -> memref<64x768xf32, #tpu.memory_space<hbm>>
      tpu.wait_dma2 semaphore(%run_scoped3A : memref<!tpu.dma_semaphore, #tpu.memory_space<semaphore_mem>>) src(%arg6 : memref<64x768xf32, #tpu.memory_space<vmem>>) dst(%dma_wait3A_14 : memref<64x768xf32, #tpu.memory_space<hbm>>)
      tpu.yield
    }) : () -> ()
    return
  }
}

#map = affine_map<(d0, d1) -> (0, 0)>
#map1 = affine_map<(d0, d1) -> (0)>
module attributes {stable_mosaic.version = 14 : i64} {
  func.func @_sc_scatter_body(%arg0: i32, %arg1: i32, %arg2: memref<2048x768xf32, #tpu.memory_space<hbm>>, %arg3: memref<2048xi32, #tpu.memory_space<hbm>>, %arg4: memref<2048x768xf32, #tpu.memory_space<hbm>>, %arg5: memref<64xi32, #tpu.memory_space<vmem>>, %arg6: memref<64x768xf32, #tpu.memory_space<vmem>>, %arg7: memref<!tpu.dma_semaphore, #tpu.memory_space<semaphore_mem>>) attributes {dimension_semantics = [#tpu.dimension_semantics<core_parallel>, #tpu.dimension_semantics<subcore_parallel>], iteration_bounds = array<i64: 2, 16>, scalar_prefetch = 0 : i64, scratch_operands = 3 : i64, tpu.core_type = #tpu.core_type<sc_vector_subcore>, window_params = [{transform_indices = #map}, {transform_indices = #map1}, {transform_indices = #map}]} {
    %mul3A = arith.constant 2 : i32
    %mul3A_0 = arith.muli %arg1, %mul3A : i32
    %add3A = arith.addi %mul3A_0, %arg0 : i32
    %mul3A_1 = arith.constant 64 : i32
    %mul3A_2 = arith.muli %add3A, %mul3A_1 : i32
    "tpu.region"() ({
      %run_scoped3A = tpu.sem_alloc : memref<!tpu.dma_semaphore, #tpu.memory_space<semaphore_mem>>
      %dma_start3A_7 = tpu.memref_slice %arg3[%mul3A_2] : memref<2048xi32, #tpu.memory_space<hbm>> -> memref<64xi32, #tpu.memory_space<hbm>>
      %dma_start3A_8 = tpu.memref_slice %arg3[%mul3A_2] : memref<2048xi32, #tpu.memory_space<hbm>> -> memref<64xi32, #tpu.memory_space<hbm>>
      tpu.enqueue_dma source(%dma_start3A_8 : memref<64xi32, #tpu.memory_space<hbm>>) target(%arg5 : memref<64xi32, #tpu.memory_space<vmem>>) target_semaphore(%run_scoped3A : memref<!tpu.dma_semaphore, #tpu.memory_space<semaphore_mem>>)
      %dma_wait3A_9 = tpu.memref_slice %arg3[%mul3A_2] : memref<2048xi32, #tpu.memory_space<hbm>> -> memref<64xi32, #tpu.memory_space<hbm>>
      %dma_wait3A_10 = tpu.memref_slice %arg3[%mul3A_2] : memref<2048xi32, #tpu.memory_space<hbm>> -> memref<64xi32, #tpu.memory_space<hbm>>
      tpu.wait_dma2 semaphore(%run_scoped3A : memref<!tpu.dma_semaphore, #tpu.memory_space<semaphore_mem>>) src(%dma_wait3A_10 : memref<64xi32, #tpu.memory_space<hbm>>) dst(%arg5 : memref<64xi32, #tpu.memory_space<vmem>>)
      tpu.yield
    }) : () -> ()
    "tpu.region"() ({
      %run_scoped3A = tpu.sem_alloc : memref<!tpu.dma_semaphore, #tpu.memory_space<semaphore_mem>>
      %dma_start3A_7 = arith.constant 0 : i32
      %dma_start3A_8 = tpu.memref_slice %arg2[%mul3A_2, %dma_start3A_7] : memref<2048x768xf32, #tpu.memory_space<hbm>> -> memref<64x768xf32, #tpu.memory_space<hbm>>
      %dma_start3A_9 = arith.constant 0 : i32
      %dma_start3A_10 = tpu.memref_slice %arg2[%mul3A_2, %dma_start3A_9] : memref<2048x768xf32, #tpu.memory_space<hbm>> -> memref<64x768xf32, #tpu.memory_space<hbm>>
      tpu.enqueue_dma source(%dma_start3A_10 : memref<64x768xf32, #tpu.memory_space<hbm>>) target(%arg6 : memref<64x768xf32, #tpu.memory_space<vmem>>) target_semaphore(%run_scoped3A : memref<!tpu.dma_semaphore, #tpu.memory_space<semaphore_mem>>)
      %dma_wait3A_11 = arith.constant 0 : i32
      %dma_wait3A_12 = tpu.memref_slice %arg2[%mul3A_2, %dma_wait3A_11] : memref<2048x768xf32, #tpu.memory_space<hbm>> -> memref<64x768xf32, #tpu.memory_space<hbm>>
      %dma_wait3A_13 = arith.constant 0 : i32
      %dma_wait3A_14 = tpu.memref_slice %arg2[%mul3A_2, %dma_wait3A_13] : memref<2048x768xf32, #tpu.memory_space<hbm>> -> memref<64x768xf32, #tpu.memory_space<hbm>>
      tpu.wait_dma2 semaphore(%run_scoped3A : memref<!tpu.dma_semaphore, #tpu.memory_space<semaphore_mem>>) src(%dma_wait3A_14 : memref<64x768xf32, #tpu.memory_space<hbm>>) dst(%arg6 : memref<64x768xf32, #tpu.memory_space<vmem>>)
      tpu.yield
    }) : () -> ()
    %dma_start3A = arith.constant 0 : i32
    %dma_start3A_3 = arith.constant 0 : i32
    %dma_start3A_4 = tpu.memref_slice %arg4[%dma_start3A, %dma_start3A_3] : memref<2048x768xf32, #tpu.memory_space<hbm>> -> memref<2048x768xf32, #tpu.memory_space<hbm>>
    tpu.enqueue_indirect_dma source(%arg6 : memref<64x768xf32, #tpu.memory_space<vmem>>) target(%dma_start3A_4 : memref<2048x768xf32, #tpu.memory_space<hbm>>) offsets(%arg5 : memref<64xi32, #tpu.memory_space<vmem>>) semaphore(%arg7 : memref<!tpu.dma_semaphore, #tpu.memory_space<semaphore_mem>>)
    %dma_wait3A = arith.constant 0 : i32
    %dma_wait3A_5 = arith.constant 0 : i32
    %dma_wait3A_6 = tpu.memref_slice %arg4[%dma_wait3A, %dma_wait3A_5] : memref<2048x768xf32, #tpu.memory_space<hbm>> -> memref<2048x768xf32, #tpu.memory_space<hbm>>
    tpu.wait_indirect_dma semaphore(%arg7 : memref<!tpu.dma_semaphore, #tpu.memory_space<semaphore_mem>>) src(%arg6 : memref<64x768xf32, #tpu.memory_space<vmem>>) dst(%dma_wait3A_6 : memref<2048x768xf32, #tpu.memory_space<hbm>>)
    return
  }
}

module attributes {stable_mosaic.version = 14 : i64} {
  func.func @_router_body(%arg0: memref<2048x768xf32, #tpu.memory_space<vmem>>, %arg1: memref<768x128xf32, #tpu.memory_space<vmem>>, %arg2: memref<1x128xf32, #tpu.memory_space<vmem>>, %arg3: memref<256x256xf32, #tpu.memory_space<vmem>>, %arg4: memref<128x128xf32, #tpu.memory_space<vmem>>, %arg5: memref<80x80xf32, #tpu.memory_space<vmem>>, %arg6: memref<2048x128xf32, #tpu.memory_space<vmem>>, %arg7: memref<2048x1xi32, #tpu.memory_space<vmem>>, %arg8: memref<2048x1xf32, #tpu.memory_space<vmem>>, %arg9: memref<2048x1xi32, #tpu.memory_space<vmem>>, %arg10: memref<80x8xi32, #tpu.memory_space<vmem>>) attributes {dimension_semantics = [], scalar_prefetch = 0 : i64, scratch_operands = 0 : i64, tpu.core_type = #tpu.core_type<tc>} {
    %get3A = arith.constant 0 : index
    %get3A_0 = arith.constant 0 : index
    %get3A_1 = vector.load %arg0[%get3A, %get3A_0] : memref<2048x768xf32, #tpu.memory_space<vmem>>, vector<2048x768xf32>
    %get3A_2 = arith.constant 0 : index
    %get3A_3 = arith.constant 0 : index
    %get3A_4 = vector.load %arg1[%get3A_2, %get3A_3] : memref<768x128xf32, #tpu.memory_space<vmem>>, vector<768x128xf32>
    %dot_general3A = arith.constant dense<0.000000e+00> : vector<2048x128xf32>
    %dot_general3A_5 = tpu.matmul %get3A_1, %get3A_4, %dot_general3A {dimension_numbers = #tpu.dot_dimension_numbers<[1], [0], [0], [1], [0, 0, 1, 1], [], []>, transpose_lhs_hint = false} : vector<2048x768xf32>, vector<768x128xf32>, vector<2048x128xf32> -> vector<2048x128xf32>
    %get3A_6 = arith.constant 0 : index
    %get3A_7 = arith.constant 0 : index
    %get3A_8 = vector.load %arg2[%get3A_6, %get3A_7] : memref<1x128xf32, #tpu.memory_space<vmem>>, vector<1x128xf32>
    %mul3A = vector.broadcast %get3A_8 : vector<1x128xf32> to vector<2048x128xf32>
    %mul3A_9 = arith.mulf %dot_general3A_5, %mul3A : vector<2048x128xf32>
    %swap3A = arith.constant 0 : index
    %swap3A_10 = arith.constant 0 : index
    %swap3A_11 = vector.load %arg6[%swap3A, %swap3A_10] : memref<2048x128xf32, #tpu.memory_space<vmem>>, vector<2048x128xf32>
    tpu.vector_store %arg6[%swap3A, %swap3A_10], %mul3A_9 {strides = array<i32>} : memref<2048x128xf32, #tpu.memory_space<vmem>>, vector<2048x128xf32>,
    %iota3A = tpu.iota {dimensions = array<i32: 1>} : vector<2048x128xi32>
    %gt3A = arith.constant 64 : i32
    %gt3A_12 = vector.broadcast %gt3A : i32 to vector<2048x128xi32>
    %gt3A_13 = arith.cmpi sgt, %iota3A, %gt3A_12 : vector<2048x128xi32>
    %jit3A = arith.constant -1.000000e+30 : f32
    %broadcast_in_dim3A = vector.broadcast %jit3A : f32 to vector<2048x128xf32>
    %select_n3A = arith.select %gt3A_13, %broadcast_in_dim3A, %mul3A_9 : vector<2048x128xi1>, vector<2048x128xf32>
    %reduce_max3A = arith.constant dense<0xFF800000> : vector<2048xf32>
    %reduce_max3A_14 = vector.multi_reduction <maximumf>, %select_n3A, %reduce_max3A [1] : vector<2048x128xf32> to vector<2048xf32>
    %broadcast_in_dim3A_15 = vector.shape_cast %reduce_max3A_14 : vector<2048xf32> to vector<2048x1xf32>
    %sub3A = vector.broadcast %broadcast_in_dim3A_15 : vector<2048x1xf32> to vector<2048x128xf32>
    %sub3A_16 = arith.subf %select_n3A, %sub3A : vector<2048x128xf32>
    %exp3A = math.exp %sub3A_16 : vector<2048x128xf32>
    %reduce_sum3A = arith.constant dense<0.000000e+00> : vector<2048xf32>
    %reduce_sum3A_17 = vector.multi_reduction <add>, %exp3A, %reduce_sum3A [1] : vector<2048x128xf32> to vector<2048xf32>
    %broadcast_in_dim3A_18 = vector.shape_cast %reduce_sum3A_17 : vector<2048xf32> to vector<2048x1xf32>
    %div3A = arith.constant 1.000000e+00 : f32
    %div3A_19 = vector.broadcast %div3A : f32 to vector<2048x1xf32>
    %div3A_20 = arith.divf %div3A_19, %broadcast_in_dim3A_18 : vector<2048x1xf32>
    %swap3A_21 = arith.constant 0 : index
    %swap3A_22 = arith.constant 0 : index
    %swap3A_23 = vector.load %arg8[%swap3A_21, %swap3A_22] : memref<2048x1xf32, #tpu.memory_space<vmem>>, vector<2048x1xf32>
    tpu.vector_store %arg8[%swap3A_21, %swap3A_22], %div3A_20 {strides = array<i32>} : memref<2048x1xf32, #tpu.memory_space<vmem>>, vector<2048x1xf32>,
    %ge3A = vector.broadcast %broadcast_in_dim3A_15 : vector<2048x1xf32> to vector<2048x128xf32>
    %ge3A_24 = arith.cmpf oge, %select_n3A, %ge3A : vector<2048x128xf32>
    %jit3A_25 = arith.constant 128 : i32
    %broadcast_in_dim3A_26 = vector.broadcast %jit3A_25 : i32 to vector<2048x128xi32>
    %select_n3A_27 = arith.select %ge3A_24, %iota3A, %broadcast_in_dim3A_26 : vector<2048x128xi1>, vector<2048x128xi32>
    %reduce_min3A = arith.constant dense<2147483647> : vector<2048xi32>
    %reduce_min3A_28 = vector.multi_reduction <minsi>, %select_n3A_27, %reduce_min3A [1] : vector<2048x128xi32> to vector<2048xi32>
    %broadcast_in_dim3A_29 = vector.shape_cast %reduce_min3A_28 : vector<2048xi32> to vector<2048x1xi32>
    %swap3A_30 = arith.constant 0 : index
    %swap3A_31 = arith.constant 0 : index
    %swap3A_32 = vector.load %arg7[%swap3A_30, %swap3A_31] : memref<2048x1xi32, #tpu.memory_space<vmem>>, vector<2048x1xi32>
    tpu.vector_store %arg7[%swap3A_30, %swap3A_31], %broadcast_in_dim3A_29 {strides = array<i32>} : memref<2048x1xi32, #tpu.memory_space<vmem>>, vector<2048x1xi32>,
    %eq3A = vector.broadcast %broadcast_in_dim3A_29 : vector<2048x1xi32> to vector<2048x128xi32>
    %eq3A_33 = arith.cmpi eq, %iota3A, %eq3A : vector<2048x128xi32>
    %convert_element_type3A = arith.extui %eq3A_33 : vector<2048x128xi1> to vector<2048x128xi32>
    %convert_element_type3A_34 = arith.sitofp %convert_element_type3A : vector<2048x128xi32> to vector<2048x128xf32>
    %get3A_35 = arith.constant 0 : index
    %get3A_36 = arith.constant 0 : index
    %get3A_37 = vector.load %arg3[%get3A_35, %get3A_36] : memref<256x256xf32, #tpu.memory_space<vmem>>, vector<256x256xf32>
    %broadcast_in_dim3A_38 = arith.constant 0.000000e+00 : f32
    %broadcast_in_dim3A_39 = vector.broadcast %broadcast_in_dim3A_38 : f32 to vector<1x128xf32>
    %slice3A = vector.extract_strided_slice %convert_element_type3A_34 {offsets = [0, 0], sizes = [256, 128], strides = [1, 1]} : vector<2048x128xf32> to vector<256x128xf32>
    %dot_general3A_40 = arith.constant dense<0.000000e+00> : vector<256x128xf32>
    %dot_general3A_41 = tpu.matmul %get3A_37, %slice3A, %dot_general3A_40 {dimension_numbers = #tpu.dot_dimension_numbers<[1], [0], [0], [1], [0, 0, 1, 1], [], []>, transpose_lhs_hint = false} : vector<256x256xf32>, vector<256x128xf32>, vector<256x128xf32> -> vector<256x128xf32>
    %add3A = vector.broadcast %broadcast_in_dim3A_39 : vector<1x128xf32> to vector<256x128xf32>
    %add3A_42 = arith.addf %dot_general3A_41, %add3A : vector<256x128xf32>
    %mul3A_43 = arith.mulf %add3A_42, %slice3A : vector<256x128xf32>
    %reduce_sum3A_44 = arith.constant dense<0.000000e+00> : vector<256xf32>
    %reduce_sum3A_45 = vector.multi_reduction <add>, %mul3A_43, %reduce_sum3A_44 [1] : vector<256x128xf32> to vector<256xf32>
    %broadcast_in_dim3A_46 = vector.shape_cast %reduce_sum3A_45 : vector<256xf32> to vector<256x1xf32>
    %slice3A_47 = vector.extract_strided_slice %add3A_42 {offsets = [255, 0], sizes = [1, 128], strides = [1, 1]} : vector<256x128xf32> to vector<1x128xf32>
    %slice3A_48 = vector.extract_strided_slice %convert_element_type3A_34 {offsets = [256, 0], sizes = [256, 128], strides = [1, 1]} : vector<2048x128xf32> to vector<256x128xf32>
    %dot_general3A_49 = arith.constant dense<0.000000e+00> : vector<256x128xf32>
    %dot_general3A_50 = tpu.matmul %get3A_37, %slice3A_48, %dot_general3A_49 {dimension_numbers = #tpu.dot_dimension_numbers<[1], [0], [0], [1], [0, 0, 1, 1], [], []>, transpose_lhs_hint = false} : vector<256x256xf32>, vector<256x128xf32>, vector<256x128xf32> -> vector<256x128xf32>
    %add3A_51 = vector.broadcast %slice3A_47 : vector<1x128xf32> to vector<256x128xf32>
    %add3A_52 = arith.addf %dot_general3A_50, %add3A_51 : vector<256x128xf32>
    %mul3A_53 = arith.mulf %add3A_52, %slice3A_48 : vector<256x128xf32>
    %reduce_sum3A_54 = arith.constant dense<0.000000e+00> : vector<256xf32>
    %reduce_sum3A_55 = vector.multi_reduction <add>, %mul3A_53, %reduce_sum3A_54 [1] : vector<256x128xf32> to vector<256xf32>
    %broadcast_in_dim3A_56 = vector.shape_cast %reduce_sum3A_55 : vector<256xf32> to vector<256x1xf32>
    %slice3A_57 = vector.extract_strided_slice %add3A_52 {offsets = [255, 0], sizes = [1, 128], strides = [1, 1]} : vector<256x128xf32> to vector<1x128xf32>
    %slice3A_58 = vector.extract_strided_slice %convert_element_type3A_34 {offsets = [512, 0], sizes = [256, 128], strides = [1, 1]} : vector<2048x128xf32> to vector<256x128xf32>
    %dot_general3A_59 = arith.constant dense<0.000000e+00> : vector<256x128xf32>
    %dot_general3A_60 = tpu.matmul %get3A_37, %slice3A_58, %dot_general3A_59 {dimension_numbers = #tpu.dot_dimension_numbers<[1], [0], [0], [1], [0, 0, 1, 1], [], []>, transpose_lhs_hint = false} : vector<256x256xf32>, vector<256x128xf32>, vector<256x128xf32> -> vector<256x128xf32>
    %add3A_61 = vector.broadcast %slice3A_57 : vector<1x128xf32> to vector<256x128xf32>
    %add3A_62 = arith.addf %dot_general3A_60, %add3A_61 : vector<256x128xf32>
    %mul3A_63 = arith.mulf %add3A_62, %slice3A_58 : vector<256x128xf32>
    %reduce_sum3A_64 = arith.constant dense<0.000000e+00> : vector<256xf32>
    %reduce_sum3A_65 = vector.multi_reduction <add>, %mul3A_63, %reduce_sum3A_64 [1] : vector<256x128xf32> to vector<256xf32>
    %broadcast_in_dim3A_66 = vector.shape_cast %reduce_sum3A_65 : vector<256xf32> to vector<256x1xf32>
    %slice3A_67 = vector.extract_strided_slice %add3A_62 {offsets = [255, 0], sizes = [1, 128], strides = [1, 1]} : vector<256x128xf32> to vector<1x128xf32>
    %slice3A_68 = vector.extract_strided_slice %convert_element_type3A_34 {offsets = [768, 0], sizes = [256, 128], strides = [1, 1]} : vector<2048x128xf32> to vector<256x128xf32>
    %dot_general3A_69 = arith.constant dense<0.000000e+00> : vector<256x128xf32>
    %dot_general3A_70 = tpu.matmul %get3A_37, %slice3A_68, %dot_general3A_69 {dimension_numbers = #tpu.dot_dimension_numbers<[1], [0], [0], [1], [0, 0, 1, 1], [], []>, transpose_lhs_hint = false} : vector<256x256xf32>, vector<256x128xf32>, vector<256x128xf32> -> vector<256x128xf32>
    %add3A_71 = vector.broadcast %slice3A_67 : vector<1x128xf32> to vector<256x128xf32>
    %add3A_72 = arith.addf %dot_general3A_70, %add3A_71 : vector<256x128xf32>
    %mul3A_73 = arith.mulf %add3A_72, %slice3A_68 : vector<256x128xf32>
    %reduce_sum3A_74 = arith.constant dense<0.000000e+00> : vector<256xf32>
    %reduce_sum3A_75 = vector.multi_reduction <add>, %mul3A_73, %reduce_sum3A_74 [1] : vector<256x128xf32> to vector<256xf32>
    %broadcast_in_dim3A_76 = vector.shape_cast %reduce_sum3A_75 : vector<256xf32> to vector<256x1xf32>
    %slice3A_77 = vector.extract_strided_slice %add3A_72 {offsets = [255, 0], sizes = [1, 128], strides = [1, 1]} : vector<256x128xf32> to vector<1x128xf32>
    %slice3A_78 = vector.extract_strided_slice %convert_element_type3A_34 {offsets = [1024, 0], sizes = [256, 128], strides = [1, 1]} : vector<2048x128xf32> to vector<256x128xf32>
    %dot_general3A_79 = arith.constant dense<0.000000e+00> : vector<256x128xf32>
    %dot_general3A_80 = tpu.matmul %get3A_37, %slice3A_78, %dot_general3A_79 {dimension_numbers = #tpu.dot_dimension_numbers<[1], [0], [0], [1], [0, 0, 1, 1], [], []>, transpose_lhs_hint = false} : vector<256x256xf32>, vector<256x128xf32>, vector<256x128xf32> -> vector<256x128xf32>
    %add3A_81 = vector.broadcast %slice3A_77 : vector<1x128xf32> to vector<256x128xf32>
    %add3A_82 = arith.addf %dot_general3A_80, %add3A_81 : vector<256x128xf32>
    %mul3A_83 = arith.mulf %add3A_82, %slice3A_78 : vector<256x128xf32>
    %reduce_sum3A_84 = arith.constant dense<0.000000e+00> : vector<256xf32>
    %reduce_sum3A_85 = vector.multi_reduction <add>, %mul3A_83, %reduce_sum3A_84 [1] : vector<256x128xf32> to vector<256xf32>
    %broadcast_in_dim3A_86 = vector.shape_cast %reduce_sum3A_85 : vector<256xf32> to vector<256x1xf32>
    %slice3A_87 = vector.extract_strided_slice %add3A_82 {offsets = [255, 0], sizes = [1, 128], strides = [1, 1]} : vector<256x128xf32> to vector<1x128xf32>
    %slice3A_88 = vector.extract_strided_slice %convert_element_type3A_34 {offsets = [1280, 0], sizes = [256, 128], strides = [1, 1]} : vector<2048x128xf32> to vector<256x128xf32>
    %dot_general3A_89 = arith.constant dense<0.000000e+00> : vector<256x128xf32>
    %dot_general3A_90 = tpu.matmul %get3A_37, %slice3A_88, %dot_general3A_89 {dimension_numbers = #tpu.dot_dimension_numbers<[1], [0], [0], [1], [0, 0, 1, 1], [], []>, transpose_lhs_hint = false} : vector<256x256xf32>, vector<256x128xf32>, vector<256x128xf32> -> vector<256x128xf32>
    %add3A_91 = vector.broadcast %slice3A_87 : vector<1x128xf32> to vector<256x128xf32>
    %add3A_92 = arith.addf %dot_general3A_90, %add3A_91 : vector<256x128xf32>
    %mul3A_93 = arith.mulf %add3A_92, %slice3A_88 : vector<256x128xf32>
    %reduce_sum3A_94 = arith.constant dense<0.000000e+00> : vector<256xf32>
    %reduce_sum3A_95 = vector.multi_reduction <add>, %mul3A_93, %reduce_sum3A_94 [1] : vector<256x128xf32> to vector<256xf32>
    %broadcast_in_dim3A_96 = vector.shape_cast %reduce_sum3A_95 : vector<256xf32> to vector<256x1xf32>
    %slice3A_97 = vector.extract_strided_slice %add3A_92 {offsets = [255, 0], sizes = [1, 128], strides = [1, 1]} : vector<256x128xf32> to vector<1x128xf32>
    %slice3A_98 = vector.extract_strided_slice %convert_element_type3A_34 {offsets = [1536, 0], sizes = [256, 128], strides = [1, 1]} : vector<2048x128xf32> to vector<256x128xf32>
    %dot_general3A_99 = arith.constant dense<0.000000e+00> : vector<256x128xf32>
    %dot_general3A_100 = tpu.matmul %get3A_37, %slice3A_98, %dot_general3A_99 {dimension_numbers = #tpu.dot_dimension_numbers<[1], [0], [0], [1], [0, 0, 1, 1], [], []>, transpose_lhs_hint = false} : vector<256x256xf32>, vector<256x128xf32>, vector<256x128xf32> -> vector<256x128xf32>
    %add3A_101 = vector.broadcast %slice3A_97 : vector<1x128xf32> to vector<256x128xf32>
    %add3A_102 = arith.addf %dot_general3A_100, %add3A_101 : vector<256x128xf32>
    %mul3A_103 = arith.mulf %add3A_102, %slice3A_98 : vector<256x128xf32>
    %reduce_sum3A_104 = arith.constant dense<0.000000e+00> : vector<256xf32>
    %reduce_sum3A_105 = vector.multi_reduction <add>, %mul3A_103, %reduce_sum3A_104 [1] : vector<256x128xf32> to vector<256xf32>
    %broadcast_in_dim3A_106 = vector.shape_cast %reduce_sum3A_105 : vector<256xf32> to vector<256x1xf32>
    %slice3A_107 = vector.extract_strided_slice %add3A_102 {offsets = [255, 0], sizes = [1, 128], strides = [1, 1]} : vector<256x128xf32> to vector<1x128xf32>
    %slice3A_108 = vector.extract_strided_slice %convert_element_type3A_34 {offsets = [1792, 0], sizes = [256, 128], strides = [1, 1]} : vector<2048x128xf32> to vector<256x128xf32>
    %dot_general3A_109 = arith.constant dense<0.000000e+00> : vector<256x128xf32>
    %dot_general3A_110 = tpu.matmul %get3A_37, %slice3A_108, %dot_general3A_109 {dimension_numbers = #tpu.dot_dimension_numbers<[1], [0], [0], [1], [0, 0, 1, 1], [], []>, transpose_lhs_hint = false} : vector<256x256xf32>, vector<256x128xf32>, vector<256x128xf32> -> vector<256x128xf32>
    %add3A_111 = vector.broadcast %slice3A_107 : vector<1x128xf32> to vector<256x128xf32>
    %add3A_112 = arith.addf %dot_general3A_110, %add3A_111 : vector<256x128xf32>
    %mul3A_113 = arith.mulf %add3A_112, %slice3A_108 : vector<256x128xf32>
    %reduce_sum3A_114 = arith.constant dense<0.000000e+00> : vector<256xf32>
    %reduce_sum3A_115 = vector.multi_reduction <add>, %mul3A_113, %reduce_sum3A_114 [1] : vector<256x128xf32> to vector<256xf32>
    %broadcast_in_dim3A_116 = vector.shape_cast %reduce_sum3A_115 : vector<256xf32> to vector<256x1xf32>
    %slice3A_117 = vector.extract_strided_slice %add3A_112 {offsets = [255, 0], sizes = [1, 128], strides = [1, 1]} : vector<256x128xf32> to vector<1x128xf32>
    %concatenate3A = tpu.concatenate %broadcast_in_dim3A_46, %broadcast_in_dim3A_56, %broadcast_in_dim3A_66, %broadcast_in_dim3A_76, %broadcast_in_dim3A_86, %broadcast_in_dim3A_96, %broadcast_in_dim3A_106, %broadcast_in_dim3A_116 in 0 : vector<256x1xf32>, vector<256x1xf32>, vector<256x1xf32>, vector<256x1xf32>, vector<256x1xf32>, vector<256x1xf32>, vector<256x1xf32>, vector<256x1xf32> -> vector<2048x1xf32>
    %sub3A_118 = arith.constant 1.000000e+00 : f32
    %sub3A_119 = vector.broadcast %sub3A_118 : f32 to vector<2048x1xf32>
    %sub3A_120 = arith.subf %concatenate3A, %sub3A_119 : vector<2048x1xf32>
    %get3A_121 = arith.constant 0 : index
    %get3A_122 = arith.constant 0 : index
    %get3A_123 = vector.load %arg4[%get3A_121, %get3A_122] : memref<128x128xf32, #tpu.memory_space<vmem>>, vector<128x128xf32>
    %dot_general3A_124 = arith.constant dense<0.000000e+00> : vector<1x128xf32>
    %dot_general3A_125 = tpu.matmul %slice3A_117, %get3A_123, %dot_general3A_124 {dimension_numbers = #tpu.dot_dimension_numbers<[1], [0], [0], [1], [0, 0, 1, 1], [], []>, precision = #tpu.contract_precision<fp32>, transpose_lhs_hint = false} : vector<1x128xf32>, vector<128x128xf32>, vector<1x128xf32> -> vector<1x128xf32>
    %mul3A_126 = vector.broadcast %dot_general3A_125 : vector<1x128xf32> to vector<2048x128xf32>
    %mul3A_127 = arith.mulf %mul3A_126, %convert_element_type3A_34 : vector<2048x128xf32>
    %reduce_sum3A_128 = arith.constant dense<0.000000e+00> : vector<2048xf32>
    %reduce_sum3A_129 = vector.multi_reduction <add>, %mul3A_127, %reduce_sum3A_128 [1] : vector<2048x128xf32> to vector<2048xf32>
    %broadcast_in_dim3A_130 = vector.shape_cast %reduce_sum3A_129 : vector<2048xf32> to vector<2048x1xf32>
    %add3A_131 = arith.addf %broadcast_in_dim3A_130, %sub3A_120 : vector<2048x1xf32>
    %convert_element_type3A_132 = arith.fptosi %add3A_131 : vector<2048x1xf32> to vector<2048x1xi32>
    %swap3A_133 = arith.constant 0 : index
    %swap3A_134 = arith.constant 0 : index
    %swap3A_135 = vector.load %arg9[%swap3A_133, %swap3A_134] : memref<2048x1xi32, #tpu.memory_space<vmem>>, vector<2048x1xi32>
    tpu.vector_store %arg9[%swap3A_133, %swap3A_134], %convert_element_type3A_132 {strides = array<i32>} : memref<2048x1xi32, #tpu.memory_space<vmem>>, vector<2048x1xi32>,
    %add3A_136 = arith.addf %dot_general3A_125, %slice3A_117 : vector<1x128xf32>
    %slice3A_137 = vector.extract_strided_slice %iota3A {offsets = [0, 0], sizes = [1, 128], strides = [1, 1]} : vector<2048x128xi32> to vector<1x128xi32>
    %convert_element_type3A_138 = arith.sitofp %slice3A_137 : vector<1x128xi32> to vector<1x128xf32>
    %mul3A_139 = arith.constant 7.812500e-03 : f32
    %mul3A_140 = vector.broadcast %mul3A_139 : f32 to vector<1x128xf32>
    %mul3A_141 = arith.mulf %dot_general3A_125, %mul3A_140 : vector<1x128xf32>
    %floor3A = math.floor %mul3A_141 : vector<1x128xf32>
    %sub3A_142 = arith.constant 1.000000e+00 : f32
    %sub3A_143 = vector.broadcast %sub3A_142 : f32 to vector<1x128xf32>
    %sub3A_144 = arith.subf %add3A_136, %sub3A_143 : vector<1x128xf32>
    %mul3A_145 = arith.constant 7.812500e-03 : f32
    %mul3A_146 = vector.broadcast %mul3A_145 : f32 to vector<1x128xf32>
    %mul3A_147 = arith.mulf %sub3A_144, %mul3A_146 : vector<1x128xf32>
    %floor3A_148 = math.floor %mul3A_147 : vector<1x128xf32>
    %gt3A_149 = arith.constant 0.000000e+00 : f32
    %gt3A_150 = vector.broadcast %gt3A_149 : f32 to vector<1x128xf32>
    %gt3A_151 = arith.cmpf ogt, %slice3A_117, %gt3A_150 : vector<1x128xf32>
    %sub3A_152 = arith.subf %floor3A_148, %floor3A : vector<1x128xf32>
    %add3A_153 = arith.constant 1.000000e+00 : f32
    %add3A_154 = vector.broadcast %add3A_153 : f32 to vector<1x128xf32>
    %add3A_155 = arith.addf %sub3A_152, %add3A_154 : vector<1x128xf32>
    %jit3A_156 = arith.constant 0.000000e+00 : f32
    %broadcast_in_dim3A_157 = vector.broadcast %jit3A_156 : f32 to vector<1x128xf32>
    %select_n3A_158 = arith.select %gt3A_151, %add3A_155, %broadcast_in_dim3A_157 : vector<1x128xi1>, vector<1x128xf32>
    %get3A_159 = arith.constant 0 : index
    %get3A_160 = arith.constant 0 : index
    %get3A_161 = vector.load %arg4[%get3A_159, %get3A_160] : memref<128x128xf32, #tpu.memory_space<vmem>>, vector<128x128xf32>
    %dot_general3A_162 = arith.constant dense<0.000000e+00> : vector<1x128xf32>
    %dot_general3A_163 = tpu.matmul %select_n3A_158, %get3A_161, %dot_general3A_162 {dimension_numbers = #tpu.dot_dimension_numbers<[1], [0], [0], [1], [0, 0, 1, 1], [], []>, precision = #tpu.contract_precision<fp32>, transpose_lhs_hint = false} : vector<1x128xf32>, vector<128x128xf32>, vector<1x128xf32> -> vector<1x128xf32>
    %add3A_164 = arith.addf %dot_general3A_163, %select_n3A_158 : vector<1x128xf32>
    %sub3A_165 = arith.subf %add3A_164, %select_n3A_158 : vector<1x128xf32>
    %reduce_sum3A_166 = arith.constant dense<0.000000e+00> : vector<1xf32>
    %reduce_sum3A_167 = vector.multi_reduction <add>, %select_n3A_158, %reduce_sum3A_166 [1] : vector<1x128xf32> to vector<1xf32>
    %broadcast_in_dim3A_168 = vector.shape_cast %reduce_sum3A_167 : vector<1xf32> to vector<1x1xf32>
    %iota3A_169 = tpu.iota {dimensions = array<i32: 0>} : vector<80x1xi32>
    %convert_element_type3A_170 = arith.sitofp %iota3A_169 : vector<80x1xi32> to vector<80x1xf32>
    %le3A = arith.constant 6.400000e+01 : f32
    %le3A_171 = vector.broadcast %le3A : f32 to vector<1x128xf32>
    %le3A_172 = arith.cmpf ole, %convert_element_type3A_138, %le3A_171 : vector<1x128xf32>
    %le3A_173 = vector.broadcast %add3A_164 : vector<1x128xf32> to vector<80x128xf32>
    %le3A_174 = vector.broadcast %convert_element_type3A_170 : vector<80x1xf32> to vector<80x128xf32>
    %le3A_175 = arith.cmpf ole, %le3A_173, %le3A_174 : vector<80x128xf32>
    %and3A = vector.broadcast %le3A_172 : vector<1x128xi1> to vector<80x128xi1>
    %and3A_176 = arith.andi %le3A_175, %and3A : vector<80x128xi1>
    %convert_element_type3A_177 = arith.extui %and3A_176 : vector<80x128xi1> to vector<80x128xi32>
    %convert_element_type3A_178 = arith.sitofp %convert_element_type3A_177 : vector<80x128xi32> to vector<80x128xf32>
    %reduce_sum3A_179 = arith.constant dense<0.000000e+00> : vector<80xf32>
    %reduce_sum3A_180 = vector.multi_reduction <add>, %convert_element_type3A_178, %reduce_sum3A_179 [1] : vector<80x128xf32> to vector<80xf32>
    %broadcast_in_dim3A_181 = vector.shape_cast %reduce_sum3A_180 : vector<80xf32> to vector<80x1xf32>
    %min3A = arith.constant 6.400000e+01 : f32
    %min3A_182 = vector.broadcast %min3A : f32 to vector<80x1xf32>
    %min3A_183 = arith.minimumf %broadcast_in_dim3A_181, %min3A_182 : vector<80x1xf32>
    %eq3A_184 = vector.broadcast %convert_element_type3A_138 : vector<1x128xf32> to vector<80x128xf32>
    %eq3A_185 = vector.broadcast %min3A_183 : vector<80x1xf32> to vector<80x128xf32>
    %eq3A_186 = arith.cmpf oeq, %eq3A_184, %eq3A_185 : vector<80x128xf32>
    %convert_element_type3A_187 = arith.extui %eq3A_186 : vector<80x128xi1> to vector<80x128xi32>
    %convert_element_type3A_188 = arith.sitofp %convert_element_type3A_187 : vector<80x128xi32> to vector<80x128xf32>
    %mul3A_189 = vector.broadcast %sub3A_165 : vector<1x128xf32> to vector<80x128xf32>
    %mul3A_190 = arith.mulf %convert_element_type3A_188, %mul3A_189 : vector<80x128xf32>
    %reduce_sum3A_191 = arith.constant dense<0.000000e+00> : vector<80xf32>
    %reduce_sum3A_192 = vector.multi_reduction <add>, %mul3A_190, %reduce_sum3A_191 [1] : vector<80x128xf32> to vector<80xf32>
    %broadcast_in_dim3A_193 = vector.shape_cast %reduce_sum3A_192 : vector<80xf32> to vector<80x1xf32>
    %sub3A_194 = arith.subf %convert_element_type3A_170, %broadcast_in_dim3A_193 : vector<80x1xf32>
    %mul3A_195 = vector.broadcast %floor3A : vector<1x128xf32> to vector<80x128xf32>
    %mul3A_196 = arith.mulf %convert_element_type3A_188, %mul3A_195 : vector<80x128xf32>
    %reduce_sum3A_197 = arith.constant dense<0.000000e+00> : vector<80xf32>
    %reduce_sum3A_198 = vector.multi_reduction <add>, %mul3A_196, %reduce_sum3A_197 [1] : vector<80x128xf32> to vector<80xf32>
    %broadcast_in_dim3A_199 = vector.shape_cast %reduce_sum3A_198 : vector<80xf32> to vector<80x1xf32>
    %add3A_200 = arith.addf %broadcast_in_dim3A_199, %sub3A_194 : vector<80x1xf32>
    %jit3A_201 = arith.constant 0.000000e+00 : f32
    %jit3A_202 = arith.constant 1.500000e+01 : f32
    %max3A = vector.broadcast %jit3A_201 : f32 to vector<80x1xf32>
    %max3A_203 = arith.maximumf %max3A, %add3A_200 : vector<80x1xf32>
    %min3A_204 = vector.broadcast %jit3A_202 : f32 to vector<80x1xf32>
    %min3A_205 = arith.minimumf %min3A_204, %max3A_203 : vector<80x1xf32>
    %ge3A_206 = vector.broadcast %broadcast_in_dim3A_168 : vector<1x1xf32> to vector<80x1xf32>
    %ge3A_207 = arith.cmpf oge, %convert_element_type3A_170, %ge3A_206 : vector<80x1xf32>
    %jit3A_208 = arith.constant 1.500000e+01 : f32
    %broadcast_in_dim3A_209 = vector.broadcast %jit3A_208 : f32 to vector<80x1xf32>
    %select_n3A_210 = arith.select %ge3A_207, %broadcast_in_dim3A_209, %min3A_205 : vector<80x1xi1>, vector<80x1xf32>
    %not3A = arith.constant dense<true> : vector<80x1xi1>
    %not3A_211 = arith.xori %ge3A_207, %not3A : vector<80x1xi1>
    %lt3A = arith.constant 6.400000e+01 : f32
    %lt3A_212 = vector.broadcast %lt3A : f32 to vector<80x1xf32>
    %lt3A_213 = arith.cmpf olt, %min3A_183, %lt3A_212 : vector<80x1xf32>
    %and3A_214 = arith.andi %not3A_211, %lt3A_213 : vector<80x1xi1>
    %mul3A_215 = vector.broadcast %dot_general3A_125 : vector<1x128xf32> to vector<80x128xf32>
    %mul3A_216 = arith.mulf %convert_element_type3A_188, %mul3A_215 : vector<80x128xf32>
    %reduce_sum3A_217 = arith.constant dense<0.000000e+00> : vector<80xf32>
    %reduce_sum3A_218 = vector.multi_reduction <add>, %mul3A_216, %reduce_sum3A_217 [1] : vector<80x128xf32> to vector<80xf32>
    %broadcast_in_dim3A_219 = vector.shape_cast %reduce_sum3A_218 : vector<80xf32> to vector<80x1xf32>
    %mul3A_220 = arith.constant 1.280000e+02 : f32
    %mul3A_221 = vector.broadcast %mul3A_220 : f32 to vector<80x1xf32>
    %mul3A_222 = arith.mulf %select_n3A_210, %mul3A_221 : vector<80x1xf32>
    %sub3A_223 = arith.subf %broadcast_in_dim3A_219, %mul3A_222 : vector<80x1xf32>
    %jit3A_224 = arith.constant 0.000000e+00 : f32
    %jit3A_225 = arith.constant 1.280000e+02 : f32
    %max3A_226 = vector.broadcast %jit3A_224 : f32 to vector<80x1xf32>
    %max3A_227 = arith.maximumf %max3A_226, %sub3A_223 : vector<80x1xf32>
    %min3A_228 = vector.broadcast %jit3A_225 : f32 to vector<80x1xf32>
    %min3A_229 = arith.minimumf %min3A_228, %max3A_227 : vector<80x1xf32>
    %jit3A_230 = arith.constant 0.000000e+00 : f32
    %broadcast_in_dim3A_231 = vector.broadcast %jit3A_230 : f32 to vector<80x1xf32>
    %select_n3A_232 = arith.select %and3A_214, %min3A_229, %broadcast_in_dim3A_231 : vector<80x1xi1>, vector<80x1xf32>
    %mul3A_233 = vector.broadcast %add3A_136 : vector<1x128xf32> to vector<80x128xf32>
    %mul3A_234 = arith.mulf %convert_element_type3A_188, %mul3A_233 : vector<80x128xf32>
    %reduce_sum3A_235 = arith.constant dense<0.000000e+00> : vector<80xf32>
    %reduce_sum3A_236 = vector.multi_reduction <add>, %mul3A_234, %reduce_sum3A_235 [1] : vector<80x128xf32> to vector<80xf32>
    %broadcast_in_dim3A_237 = vector.shape_cast %reduce_sum3A_236 : vector<80xf32> to vector<80x1xf32>
    %mul3A_238 = arith.constant 1.280000e+02 : f32
    %mul3A_239 = vector.broadcast %mul3A_238 : f32 to vector<80x1xf32>
    %mul3A_240 = arith.mulf %select_n3A_210, %mul3A_239 : vector<80x1xf32>
    %sub3A_241 = arith.subf %broadcast_in_dim3A_237, %mul3A_240 : vector<80x1xf32>
    %jit3A_242 = arith.constant 0.000000e+00 : f32
    %jit3A_243 = arith.constant 1.280000e+02 : f32
    %max3A_244 = vector.broadcast %jit3A_242 : f32 to vector<80x1xf32>
    %max3A_245 = arith.maximumf %max3A_244, %sub3A_241 : vector<80x1xf32>
    %min3A_246 = vector.broadcast %jit3A_243 : f32 to vector<80x1xf32>
    %min3A_247 = arith.minimumf %min3A_246, %max3A_245 : vector<80x1xf32>
    %jit3A_248 = arith.constant 0.000000e+00 : f32
    %broadcast_in_dim3A_249 = vector.broadcast %jit3A_248 : f32 to vector<80x1xf32>
    %select_n3A_250 = arith.select %and3A_214, %min3A_247, %broadcast_in_dim3A_249 : vector<80x1xi1>, vector<80x1xf32>
    %min3A_251 = arith.constant 6.300000e+01 : f32
    %min3A_252 = vector.broadcast %min3A_251 : f32 to vector<80x1xf32>
    %min3A_253 = arith.minimumf %min3A_183, %min3A_252 : vector<80x1xf32>
    %eq3A_254 = arith.constant 0.000000e+00 : f32
    %eq3A_255 = vector.broadcast %eq3A_254 : f32 to vector<80x1xf32>
    %eq3A_256 = arith.cmpf oeq, %sub3A_194, %eq3A_255 : vector<80x1xf32>
    %and3A_257 = arith.andi %and3A_214, %eq3A_256 : vector<80x1xi1>
    %jit3A_258 = arith.constant 1.000000e+00 : f32
    %jit3A_259 = arith.constant 0.000000e+00 : f32
    %broadcast_in_dim3A_260 = vector.broadcast %jit3A_258 : f32 to vector<80x1xf32>
    %broadcast_in_dim3A_261 = vector.broadcast %jit3A_259 : f32 to vector<80x1xf32>
    %select_n3A_262 = arith.select %and3A_257, %broadcast_in_dim3A_260, %broadcast_in_dim3A_261 : vector<80x1xi1>, vector<80x1xf32>
    %get3A_263 = arith.constant 0 : index
    %get3A_264 = arith.constant 0 : index
    %get3A_265 = vector.load %arg5[%get3A_263, %get3A_264] : memref<80x80xf32, #tpu.memory_space<vmem>>, vector<80x80xf32>
    %dot_general3A_266 = arith.constant dense<0.000000e+00> : vector<80x1xf32>
    %dot_general3A_267 = tpu.matmul %get3A_265, %select_n3A_262, %dot_general3A_266 {dimension_numbers = #tpu.dot_dimension_numbers<[1], [0], [0], [1], [0, 0, 1, 1], [], []>, precision = #tpu.contract_precision<fp32>, transpose_lhs_hint = false} : vector<80x80xf32>, vector<80x1xf32>, vector<80x1xf32> -> vector<80x1xf32>
    %sub3A_268 = arith.constant 1.000000e+00 : f32
    %sub3A_269 = vector.broadcast %sub3A_268 : f32 to vector<80x1xf32>
    %sub3A_270 = arith.subf %dot_general3A_267, %sub3A_269 : vector<80x1xf32>
    %max3A_271 = arith.constant 0.000000e+00 : f32
    %max3A_272 = vector.broadcast %max3A_271 : f32 to vector<80x1xf32>
    %max3A_273 = arith.maximumf %sub3A_270, %max3A_272 : vector<80x1xf32>
    %mul3A_274 = arith.constant 2.500000e-01 : f32
    %mul3A_275 = vector.broadcast %mul3A_274 : f32 to vector<80x1xf32>
    %mul3A_276 = arith.mulf %max3A_273, %mul3A_275 : vector<80x1xf32>
    %floor3A_277 = math.floor %mul3A_276 : vector<80x1xf32>
    %mul3A_278 = arith.constant 4.000000e+00 : f32
    %mul3A_279 = vector.broadcast %mul3A_278 : f32 to vector<80x1xf32>
    %mul3A_280 = arith.mulf %mul3A_279, %floor3A_277 : vector<80x1xf32>
    %sub3A_281 = arith.subf %max3A_273, %mul3A_280 : vector<80x1xf32>
    %iota3A_282 = tpu.iota {dimensions = array<i32: 1>} : vector<80x8xi32>
    %broadcast_in_dim3A_283 = arith.constant 0.000000e+00 : f32
    %broadcast_in_dim3A_284 = vector.broadcast %broadcast_in_dim3A_283 : f32 to vector<80x8xf32>
    %eq3A_285 = arith.constant 0 : i32
    %eq3A_286 = vector.broadcast %eq3A_285 : i32 to vector<80x8xi32>
    %eq3A_287 = arith.cmpi eq, %iota3A_282, %eq3A_286 : vector<80x8xi32>
    %jit3A_288 = arith.constant 0.000000e+00 : f32
    %broadcast_in_dim3A_289 = vector.shape_cast %select_n3A_210 : vector<80x1xf32> to vector<80x1xf32>
    %broadcast_in_dim3A_290 = vector.broadcast %broadcast_in_dim3A_289 : vector<80x1xf32> to vector<80x8xf32>
    %broadcast_in_dim3A_291 = vector.broadcast %jit3A_288 : f32 to vector<80x8xf32>
    %select_n3A_292 = arith.select %eq3A_287, %broadcast_in_dim3A_290, %broadcast_in_dim3A_291 : vector<80x8xi1>, vector<80x8xf32>
    %add3A_293 = arith.addf %broadcast_in_dim3A_284, %select_n3A_292 : vector<80x8xf32>
    %eq3A_294 = arith.constant 1 : i32
    %eq3A_295 = vector.broadcast %eq3A_294 : i32 to vector<80x8xi32>
    %eq3A_296 = arith.cmpi eq, %iota3A_282, %eq3A_295 : vector<80x8xi32>
    %jit3A_297 = arith.constant 0.000000e+00 : f32
    %broadcast_in_dim3A_298 = vector.shape_cast %min3A_253 : vector<80x1xf32> to vector<80x1xf32>
    %broadcast_in_dim3A_299 = vector.broadcast %broadcast_in_dim3A_298 : vector<80x1xf32> to vector<80x8xf32>
    %broadcast_in_dim3A_300 = vector.broadcast %jit3A_297 : f32 to vector<80x8xf32>
    %select_n3A_301 = arith.select %eq3A_296, %broadcast_in_dim3A_299, %broadcast_in_dim3A_300 : vector<80x8xi1>, vector<80x8xf32>
    %add3A_302 = arith.addf %add3A_293, %select_n3A_301 : vector<80x8xf32>
    %eq3A_303 = arith.constant 2 : i32
    %eq3A_304 = vector.broadcast %eq3A_303 : i32 to vector<80x8xi32>
    %eq3A_305 = arith.cmpi eq, %iota3A_282, %eq3A_304 : vector<80x8xi32>
    %jit3A_306 = arith.constant 0.000000e+00 : f32
    %broadcast_in_dim3A_307 = vector.shape_cast %select_n3A_232 : vector<80x1xf32> to vector<80x1xf32>
    %broadcast_in_dim3A_308 = vector.broadcast %broadcast_in_dim3A_307 : vector<80x1xf32> to vector<80x8xf32>
    %broadcast_in_dim3A_309 = vector.broadcast %jit3A_306 : f32 to vector<80x8xf32>
    %select_n3A_310 = arith.select %eq3A_305, %broadcast_in_dim3A_308, %broadcast_in_dim3A_309 : vector<80x8xi1>, vector<80x8xf32>
    %add3A_311 = arith.addf %add3A_302, %select_n3A_310 : vector<80x8xf32>
    %eq3A_312 = arith.constant 3 : i32
    %eq3A_313 = vector.broadcast %eq3A_312 : i32 to vector<80x8xi32>
    %eq3A_314 = arith.cmpi eq, %iota3A_282, %eq3A_313 : vector<80x8xi32>
    %jit3A_315 = arith.constant 0.000000e+00 : f32
    %broadcast_in_dim3A_316 = vector.shape_cast %select_n3A_250 : vector<80x1xf32> to vector<80x1xf32>
    %broadcast_in_dim3A_317 = vector.broadcast %broadcast_in_dim3A_316 : vector<80x1xf32> to vector<80x8xf32>
    %broadcast_in_dim3A_318 = vector.broadcast %jit3A_315 : f32 to vector<80x8xf32>
    %select_n3A_319 = arith.select %eq3A_314, %broadcast_in_dim3A_317, %broadcast_in_dim3A_318 : vector<80x8xi1>, vector<80x8xf32>
    %add3A_320 = arith.addf %add3A_311, %select_n3A_319 : vector<80x8xf32>
    %eq3A_321 = arith.constant 4 : i32
    %eq3A_322 = vector.broadcast %eq3A_321 : i32 to vector<80x8xi32>
    %eq3A_323 = arith.cmpi eq, %iota3A_282, %eq3A_322 : vector<80x8xi32>
    %jit3A_324 = arith.constant 0.000000e+00 : f32
    %broadcast_in_dim3A_325 = vector.shape_cast %select_n3A_262 : vector<80x1xf32> to vector<80x1xf32>
    %broadcast_in_dim3A_326 = vector.broadcast %broadcast_in_dim3A_325 : vector<80x1xf32> to vector<80x8xf32>
    %broadcast_in_dim3A_327 = vector.broadcast %jit3A_324 : f32 to vector<80x8xf32>
    %select_n3A_328 = arith.select %eq3A_323, %broadcast_in_dim3A_326, %broadcast_in_dim3A_327 : vector<80x8xi1>, vector<80x8xf32>
    %add3A_329 = arith.addf %add3A_320, %select_n3A_328 : vector<80x8xf32>
    %eq3A_330 = arith.constant 5 : i32
    %eq3A_331 = vector.broadcast %eq3A_330 : i32 to vector<80x8xi32>
    %eq3A_332 = arith.cmpi eq, %iota3A_282, %eq3A_331 : vector<80x8xi32>
    %jit3A_333 = arith.constant 0.000000e+00 : f32
    %broadcast_in_dim3A_334 = vector.shape_cast %sub3A_281 : vector<80x1xf32> to vector<80x1xf32>
    %broadcast_in_dim3A_335 = vector.broadcast %broadcast_in_dim3A_334 : vector<80x1xf32> to vector<80x8xf32>
    %broadcast_in_dim3A_336 = vector.broadcast %jit3A_333 : f32 to vector<80x8xf32>
    %select_n3A_337 = arith.select %eq3A_332, %broadcast_in_dim3A_335, %broadcast_in_dim3A_336 : vector<80x8xi1>, vector<80x8xf32>
    %add3A_338 = arith.addf %add3A_329, %select_n3A_337 : vector<80x8xf32>
    %convert_element_type3A_339 = arith.fptosi %add3A_338 : vector<80x8xf32> to vector<80x8xi32>
    %swap3A_340 = arith.constant 0 : index
    %swap3A_341 = arith.constant 0 : index
    %swap3A_342 = vector.load %arg10[%swap3A_340, %swap3A_341] : memref<80x8xi32, #tpu.memory_space<vmem>>, vector<80x8xi32>
    tpu.vector_store %arg10[%swap3A_340, %swap3A_341], %convert_element_type3A_339 {strides = array<i32>} : memref<80x8xi32, #tpu.memory_space<vmem>>, vector<80x8xi32>,
    return
  }
}

module attributes {stable_mosaic.version = 14 : i64} {
  func.func @_gmm_body(%arg0: i32, %arg1: memref<80x8xi32, #tpu.memory_space<smem>>, %arg2: memref<128x768xf32, #tpu.memory_space<vmem>>, %arg3: memref<64x1024xf32, #tpu.memory_space<vmem>>, %arg4: memref<64x768xf32, #tpu.memory_space<vmem>>, %arg5: memref<64x768x1024xf32, #tpu.memory_space<any>>, %arg6: memref<64x1024x768xf32, #tpu.memory_space<any>>, %arg7: memref<128x768xf32, #tpu.memory_space<vmem>>, %arg8: memref<4x768x1024xf32, #tpu.memory_space<vmem>>, %arg9: memref<4x1024x768xf32, #tpu.memory_space<vmem>>, %arg10: memref<4x!tpu.dma_semaphore, #tpu.memory_space<semaphore_mem>>, %arg11: memref<4x!tpu.dma_semaphore, #tpu.memory_space<semaphore_mem>>) attributes {dimension_semantics = [#tpu.dimension_semantics<arbitrary>], iteration_bounds = array<i64: 80>, scalar_prefetch = 1 : i64, scratch_operands = 4 : i64, tpu.core_type = #tpu.core_type<tc>, window_params = [{transform_indices = @transform_0, window_bounds = array<i64: 128, 768>}, {pipeline_mode = #tpu.pipeline_mode<synchronous>, transform_indices = @transform_1, window_bounds = array<i64: 64, 1024>}, {pipeline_mode = #tpu.pipeline_mode<synchronous>, transform_indices = @transform_2, window_bounds = array<i64: 64, 768>}, {}, {}, {transform_indices = @transform_5, window_bounds = array<i64: 128, 768>}]} {
    %eq3A = arith.constant 0 : i32
    %eq3A_0 = arith.cmpi eq, %arg0, %eq3A : i32
    %convert_element_type3A = arith.extui %eq3A_0 : i1 to i32
    %cond3A = arith.constant 0 : i32
    %cond3A_1 = arith.cmpi ne, %convert_element_type3A, %cond3A : i32
    scf.if %cond3A_1 {
      %get3A_54 = arith.constant 0 : index
      %get3A_55 = arith.constant 4 : index
      %get3A_56 = memref.load %arg1[%get3A_54, %get3A_55] : memref<80x8xi32, #tpu.memory_space<smem>>
      %eq3A_57 = arith.constant 1 : i32
      %eq3A_58 = arith.cmpi eq, %get3A_56, %eq3A_57 : i32
      %convert_element_type3A_59 = arith.extui %eq3A_58 : i1 to i32
      %cond3A_60 = arith.constant 0 : i32
      %cond3A_61 = arith.cmpi ne, %convert_element_type3A_59, %cond3A_60 : i32
      scf.if %cond3A_61 {
        %get3A_78 = arith.constant 0 : index
        %get3A_79 = arith.constant 5 : index
        %get3A_80 = memref.load %arg1[%get3A_78, %get3A_79] : memref<80x8xi32, #tpu.memory_space<smem>>
        %get3A_81 = arith.constant 0 : index
        %get3A_82 = arith.constant 1 : index
        %get3A_83 = memref.load %arg1[%get3A_81, %get3A_82] : memref<80x8xi32, #tpu.memory_space<smem>>
        %dma_start3A = tpu.memref_slice %arg10[%get3A_80] : memref<4x!tpu.dma_semaphore, #tpu.memory_space<semaphore_mem>> -> memref<1x!tpu.dma_semaphore, #tpu.memory_space<semaphore_mem>>
        %dma_start3A_84 = tpu.memref_squeeze %dma_start3A : memref<1x!tpu.dma_semaphore, #tpu.memory_space<semaphore_mem>> -> memref<!tpu.dma_semaphore, #tpu.memory_space<semaphore_mem>>
        %dma_start3A_85 = arith.constant 0 : i32
        %dma_start3A_86 = arith.constant 0 : i32
        %dma_start3A_87 = tpu.memref_slice %arg8[%get3A_80, %dma_start3A_85, %dma_start3A_86] : memref<4x768x1024xf32, #tpu.memory_space<vmem>> -> memref<1x768x1024xf32, #tpu.memory_space<vmem>>
        %dma_start3A_88 = tpu.memref_squeeze %dma_start3A_87 : memref<1x768x1024xf32, #tpu.memory_space<vmem>> -> memref<768x1024xf32, #tpu.memory_space<vmem>>
        %dma_start3A_89 = arith.constant 0 : i32
        %dma_start3A_90 = arith.constant 0 : i32
        %dma_start3A_91 = tpu.memref_slice %arg5[%get3A_83, %dma_start3A_89, %dma_start3A_90] : memref<64x768x1024xf32, #tpu.memory_space<any>> -> memref<1x768x1024xf32, #tpu.memory_space<any>>
        %dma_start3A_92 = tpu.memref_squeeze %dma_start3A_91 : memref<1x768x1024xf32, #tpu.memory_space<any>> -> memref<768x1024xf32, #tpu.memory_space<any>>
        tpu.enqueue_dma source(%dma_start3A_92 : memref<768x1024xf32, #tpu.memory_space<any>>) target(%dma_start3A_88 : memref<768x1024xf32, #tpu.memory_space<vmem>>) target_semaphore(%dma_start3A_84 : memref<!tpu.dma_semaphore, #tpu.memory_space<semaphore_mem>>)
        %dma_start3A_93 = tpu.memref_slice %arg11[%get3A_80] : memref<4x!tpu.dma_semaphore, #tpu.memory_space<semaphore_mem>> -> memref<1x!tpu.dma_semaphore, #tpu.memory_space<semaphore_mem>>
        %dma_start3A_94 = tpu.memref_squeeze %dma_start3A_93 : memref<1x!tpu.dma_semaphore, #tpu.memory_space<semaphore_mem>> -> memref<!tpu.dma_semaphore, #tpu.memory_space<semaphore_mem>>
        %dma_start3A_95 = arith.constant 0 : i32
        %dma_start3A_96 = arith.constant 0 : i32
        %dma_start3A_97 = tpu.memref_slice %arg9[%get3A_80, %dma_start3A_95, %dma_start3A_96] : memref<4x1024x768xf32, #tpu.memory_space<vmem>> -> memref<1x1024x768xf32, #tpu.memory_space<vmem>>
        %dma_start3A_98 = tpu.memref_squeeze %dma_start3A_97 : memref<1x1024x768xf32, #tpu.memory_space<vmem>> -> memref<1024x768xf32, #tpu.memory_space<vmem>>
        %dma_start3A_99 = arith.constant 0 : i32
        %dma_start3A_100 = arith.constant 0 : i32
        %dma_start3A_101 = tpu.memref_slice %arg6[%get3A_83, %dma_start3A_99, %dma_start3A_100] : memref<64x1024x768xf32, #tpu.memory_space<any>> -> memref<1x1024x768xf32, #tpu.memory_space<any>>
        %dma_start3A_102 = tpu.memref_squeeze %dma_start3A_101 : memref<1x1024x768xf32, #tpu.memory_space<any>> -> memref<1024x768xf32, #tpu.memory_space<any>>
        tpu.enqueue_dma source(%dma_start3A_102 : memref<1024x768xf32, #tpu.memory_space<any>>) target(%dma_start3A_98 : memref<1024x768xf32, #tpu.memory_space<vmem>>) target_semaphore(%dma_start3A_94 : memref<!tpu.dma_semaphore, #tpu.memory_space<semaphore_mem>>)
      } else {
      }
      %get3A_62 = arith.constant 1 : index
      %get3A_63 = arith.constant 4 : index
      %get3A_64 = memref.load %arg1[%get3A_62, %get3A_63] : memref<80x8xi32, #tpu.memory_space<smem>>
      %eq3A_65 = arith.constant 1 : i32
      %eq3A_66 = arith.cmpi eq, %get3A_64, %eq3A_65 : i32
      %convert_element_type3A_67 = arith.extui %eq3A_66 : i1 to i32
      %cond3A_68 = arith.constant 0 : i32
      %cond3A_69 = arith.cmpi ne, %convert_element_type3A_67, %cond3A_68 : i32
      scf.if %cond3A_69 {
        %get3A_78 = arith.constant 1 : index
        %get3A_79 = arith.constant 5 : index
        %get3A_80 = memref.load %arg1[%get3A_78, %get3A_79] : memref<80x8xi32, #tpu.memory_space<smem>>
        %get3A_81 = arith.constant 1 : index
        %get3A_82 = arith.constant 1 : index
        %get3A_83 = memref.load %arg1[%get3A_81, %get3A_82] : memref<80x8xi32, #tpu.memory_space<smem>>
        %dma_start3A = tpu.memref_slice %arg10[%get3A_80] : memref<4x!tpu.dma_semaphore, #tpu.memory_space<semaphore_mem>> -> memref<1x!tpu.dma_semaphore, #tpu.memory_space<semaphore_mem>>
        %dma_start3A_84 = tpu.memref_squeeze %dma_start3A : memref<1x!tpu.dma_semaphore, #tpu.memory_space<semaphore_mem>> -> memref<!tpu.dma_semaphore, #tpu.memory_space<semaphore_mem>>
        %dma_start3A_85 = arith.constant 0 : i32
        %dma_start3A_86 = arith.constant 0 : i32
        %dma_start3A_87 = tpu.memref_slice %arg8[%get3A_80, %dma_start3A_85, %dma_start3A_86] : memref<4x768x1024xf32, #tpu.memory_space<vmem>> -> memref<1x768x1024xf32, #tpu.memory_space<vmem>>
        %dma_start3A_88 = tpu.memref_squeeze %dma_start3A_87 : memref<1x768x1024xf32, #tpu.memory_space<vmem>> -> memref<768x1024xf32, #tpu.memory_space<vmem>>
        %dma_start3A_89 = arith.constant 0 : i32
        %dma_start3A_90 = arith.constant 0 : i32
        %dma_start3A_91 = tpu.memref_slice %arg5[%get3A_83, %dma_start3A_89, %dma_start3A_90] : memref<64x768x1024xf32, #tpu.memory_space<any>> -> memref<1x768x1024xf32, #tpu.memory_space<any>>
        %dma_start3A_92 = tpu.memref_squeeze %dma_start3A_91 : memref<1x768x1024xf32, #tpu.memory_space<any>> -> memref<768x1024xf32, #tpu.memory_space<any>>
        tpu.enqueue_dma source(%dma_start3A_92 : memref<768x1024xf32, #tpu.memory_space<any>>) target(%dma_start3A_88 : memref<768x1024xf32, #tpu.memory_space<vmem>>) target_semaphore(%dma_start3A_84 : memref<!tpu.dma_semaphore, #tpu.memory_space<semaphore_mem>>)
        %dma_start3A_93 = tpu.memref_slice %arg11[%get3A_80] : memref<4x!tpu.dma_semaphore, #tpu.memory_space<semaphore_mem>> -> memref<1x!tpu.dma_semaphore, #tpu.memory_space<semaphore_mem>>
        %dma_start3A_94 = tpu.memref_squeeze %dma_start3A_93 : memref<1x!tpu.dma_semaphore, #tpu.memory_space<semaphore_mem>> -> memref<!tpu.dma_semaphore, #tpu.memory_space<semaphore_mem>>
        %dma_start3A_95 = arith.constant 0 : i32
        %dma_start3A_96 = arith.constant 0 : i32
        %dma_start3A_97 = tpu.memref_slice %arg9[%get3A_80, %dma_start3A_95, %dma_start3A_96] : memref<4x1024x768xf32, #tpu.memory_space<vmem>> -> memref<1x1024x768xf32, #tpu.memory_space<vmem>>
        %dma_start3A_98 = tpu.memref_squeeze %dma_start3A_97 : memref<1x1024x768xf32, #tpu.memory_space<vmem>> -> memref<1024x768xf32, #tpu.memory_space<vmem>>
        %dma_start3A_99 = arith.constant 0 : i32
        %dma_start3A_100 = arith.constant 0 : i32
        %dma_start3A_101 = tpu.memref_slice %arg6[%get3A_83, %dma_start3A_99, %dma_start3A_100] : memref<64x1024x768xf32, #tpu.memory_space<any>> -> memref<1x1024x768xf32, #tpu.memory_space<any>>
        %dma_start3A_102 = tpu.memref_squeeze %dma_start3A_101 : memref<1x1024x768xf32, #tpu.memory_space<any>> -> memref<1024x768xf32, #tpu.memory_space<any>>
        tpu.enqueue_dma source(%dma_start3A_102 : memref<1024x768xf32, #tpu.memory_space<any>>) target(%dma_start3A_98 : memref<1024x768xf32, #tpu.memory_space<vmem>>) target_semaphore(%dma_start3A_94 : memref<!tpu.dma_semaphore, #tpu.memory_space<semaphore_mem>>)
      } else {
      }
      %get3A_70 = arith.constant 2 : index
      %get3A_71 = arith.constant 4 : index
      %get3A_72 = memref.load %arg1[%get3A_70, %get3A_71] : memref<80x8xi32, #tpu.memory_space<smem>>
      %eq3A_73 = arith.constant 1 : i32
      %eq3A_74 = arith.cmpi eq, %get3A_72, %eq3A_73 : i32
      %convert_element_type3A_75 = arith.extui %eq3A_74 : i1 to i32
      %cond3A_76 = arith.constant 0 : i32
      %cond3A_77 = arith.cmpi ne, %convert_element_type3A_75, %cond3A_76 : i32
      scf.if %cond3A_77 {
        %get3A_78 = arith.constant 2 : index
        %get3A_79 = arith.constant 5 : index
        %get3A_80 = memref.load %arg1[%get3A_78, %get3A_79] : memref<80x8xi32, #tpu.memory_space<smem>>
        %get3A_81 = arith.constant 2 : index
        %get3A_82 = arith.constant 1 : index
        %get3A_83 = memref.load %arg1[%get3A_81, %get3A_82] : memref<80x8xi32, #tpu.memory_space<smem>>
        %dma_start3A = tpu.memref_slice %arg10[%get3A_80] : memref<4x!tpu.dma_semaphore, #tpu.memory_space<semaphore_mem>> -> memref<1x!tpu.dma_semaphore, #tpu.memory_space<semaphore_mem>>
        %dma_start3A_84 = tpu.memref_squeeze %dma_start3A : memref<1x!tpu.dma_semaphore, #tpu.memory_space<semaphore_mem>> -> memref<!tpu.dma_semaphore, #tpu.memory_space<semaphore_mem>>
        %dma_start3A_85 = arith.constant 0 : i32
        %dma_start3A_86 = arith.constant 0 : i32
        %dma_start3A_87 = tpu.memref_slice %arg8[%get3A_80, %dma_start3A_85, %dma_start3A_86] : memref<4x768x1024xf32, #tpu.memory_space<vmem>> -> memref<1x768x1024xf32, #tpu.memory_space<vmem>>
        %dma_start3A_88 = tpu.memref_squeeze %dma_start3A_87 : memref<1x768x1024xf32, #tpu.memory_space<vmem>> -> memref<768x1024xf32, #tpu.memory_space<vmem>>
        %dma_start3A_89 = arith.constant 0 : i32
        %dma_start3A_90 = arith.constant 0 : i32
        %dma_start3A_91 = tpu.memref_slice %arg5[%get3A_83, %dma_start3A_89, %dma_start3A_90] : memref<64x768x1024xf32, #tpu.memory_space<any>> -> memref<1x768x1024xf32, #tpu.memory_space<any>>
        %dma_start3A_92 = tpu.memref_squeeze %dma_start3A_91 : memref<1x768x1024xf32, #tpu.memory_space<any>> -> memref<768x1024xf32, #tpu.memory_space<any>>
        tpu.enqueue_dma source(%dma_start3A_92 : memref<768x1024xf32, #tpu.memory_space<any>>) target(%dma_start3A_88 : memref<768x1024xf32, #tpu.memory_space<vmem>>) target_semaphore(%dma_start3A_84 : memref<!tpu.dma_semaphore, #tpu.memory_space<semaphore_mem>>)
        %dma_start3A_93 = tpu.memref_slice %arg11[%get3A_80] : memref<4x!tpu.dma_semaphore, #tpu.memory_space<semaphore_mem>> -> memref<1x!tpu.dma_semaphore, #tpu.memory_space<semaphore_mem>>
        %dma_start3A_94 = tpu.memref_squeeze %dma_start3A_93 : memref<1x!tpu.dma_semaphore, #tpu.memory_space<semaphore_mem>> -> memref<!tpu.dma_semaphore, #tpu.memory_space<semaphore_mem>>
        %dma_start3A_95 = arith.constant 0 : i32
        %dma_start3A_96 = arith.constant 0 : i32
        %dma_start3A_97 = tpu.memref_slice %arg9[%get3A_80, %dma_start3A_95, %dma_start3A_96] : memref<4x1024x768xf32, #tpu.memory_space<vmem>> -> memref<1x1024x768xf32, #tpu.memory_space<vmem>>
        %dma_start3A_98 = tpu.memref_squeeze %dma_start3A_97 : memref<1x1024x768xf32, #tpu.memory_space<vmem>> -> memref<1024x768xf32, #tpu.memory_space<vmem>>
        %dma_start3A_99 = arith.constant 0 : i32
        %dma_start3A_100 = arith.constant 0 : i32
        %dma_start3A_101 = tpu.memref_slice %arg6[%get3A_83, %dma_start3A_99, %dma_start3A_100] : memref<64x1024x768xf32, #tpu.memory_space<any>> -> memref<1x1024x768xf32, #tpu.memory_space<any>>
        %dma_start3A_102 = tpu.memref_squeeze %dma_start3A_101 : memref<1x1024x768xf32, #tpu.memory_space<any>> -> memref<1024x768xf32, #tpu.memory_space<any>>
        tpu.enqueue_dma source(%dma_start3A_102 : memref<1024x768xf32, #tpu.memory_space<any>>) target(%dma_start3A_98 : memref<1024x768xf32, #tpu.memory_space<vmem>>) target_semaphore(%dma_start3A_94 : memref<!tpu.dma_semaphore, #tpu.memory_space<semaphore_mem>>)
      } else {
      }
    } else {
    }
    %add3A = arith.constant 4 : i32
    %add3A_2 = arith.addi %arg0, %add3A : i32
    %sub3A = arith.constant 1 : i32
    %sub3A_3 = arith.subi %add3A_2, %sub3A : i32
    %min3A = arith.constant 79 : i32
    %min3A_4 = arith.minsi %sub3A_3, %min3A : i32
    %add3A_5 = arith.constant 4 : i32
    %add3A_6 = arith.addi %arg0, %add3A_5 : i32
    %sub3A_7 = arith.constant 1 : i32
    %sub3A_8 = arith.subi %add3A_6, %sub3A_7 : i32
    %lt3A = arith.constant 80 : i32
    %lt3A_9 = arith.cmpi slt, %sub3A_8, %lt3A : i32
    %get3A = arith.index_cast %min3A_4 : i32 to index
    %get3A_10 = arith.constant 4 : index
    %get3A_11 = memref.load %arg1[%get3A, %get3A_10] : memref<80x8xi32, #tpu.memory_space<smem>>
    %eq3A_12 = arith.constant 1 : i32
    %eq3A_13 = arith.cmpi eq, %get3A_11, %eq3A_12 : i32
    %and3A = arith.andi %lt3A_9, %eq3A_13 : i1
    %convert_element_type3A_14 = arith.extui %and3A : i1 to i32
    %cond3A_15 = arith.constant 0 : i32
    %cond3A_16 = arith.cmpi ne, %convert_element_type3A_14, %cond3A_15 : i32
    scf.if %cond3A_16 {
      %get3A_54 = arith.index_cast %min3A_4 : i32 to index
      %get3A_55 = arith.constant 5 : index
      %get3A_56 = memref.load %arg1[%get3A_54, %get3A_55] : memref<80x8xi32, #tpu.memory_space<smem>>
      %get3A_57 = arith.index_cast %min3A_4 : i32 to index
      %get3A_58 = arith.constant 1 : index
      %get3A_59 = memref.load %arg1[%get3A_57, %get3A_58] : memref<80x8xi32, #tpu.memory_space<smem>>
      %dma_start3A = tpu.memref_slice %arg10[%get3A_56] : memref<4x!tpu.dma_semaphore, #tpu.memory_space<semaphore_mem>> -> memref<1x!tpu.dma_semaphore, #tpu.memory_space<semaphore_mem>>
      %dma_start3A_60 = tpu.memref_squeeze %dma_start3A : memref<1x!tpu.dma_semaphore, #tpu.memory_space<semaphore_mem>> -> memref<!tpu.dma_semaphore, #tpu.memory_space<semaphore_mem>>
      %dma_start3A_61 = arith.constant 0 : i32
      %dma_start3A_62 = arith.constant 0 : i32
      %dma_start3A_63 = tpu.memref_slice %arg8[%get3A_56, %dma_start3A_61, %dma_start3A_62] : memref<4x768x1024xf32, #tpu.memory_space<vmem>> -> memref<1x768x1024xf32, #tpu.memory_space<vmem>>
      %dma_start3A_64 = tpu.memref_squeeze %dma_start3A_63 : memref<1x768x1024xf32, #tpu.memory_space<vmem>> -> memref<768x1024xf32, #tpu.memory_space<vmem>>
      %dma_start3A_65 = arith.constant 0 : i32
      %dma_start3A_66 = arith.constant 0 : i32
      %dma_start3A_67 = tpu.memref_slice %arg5[%get3A_59, %dma_start3A_65, %dma_start3A_66] : memref<64x768x1024xf32, #tpu.memory_space<any>> -> memref<1x768x1024xf32, #tpu.memory_space<any>>
      %dma_start3A_68 = tpu.memref_squeeze %dma_start3A_67 : memref<1x768x1024xf32, #tpu.memory_space<any>> -> memref<768x1024xf32, #tpu.memory_space<any>>
      tpu.enqueue_dma source(%dma_start3A_68 : memref<768x1024xf32, #tpu.memory_space<any>>) target(%dma_start3A_64 : memref<768x1024xf32, #tpu.memory_space<vmem>>) target_semaphore(%dma_start3A_60 : memref<!tpu.dma_semaphore, #tpu.memory_space<semaphore_mem>>)
      %dma_start3A_69 = tpu.memref_slice %arg11[%get3A_56] : memref<4x!tpu.dma_semaphore, #tpu.memory_space<semaphore_mem>> -> memref<1x!tpu.dma_semaphore, #tpu.memory_space<semaphore_mem>>
      %dma_start3A_70 = tpu.memref_squeeze %dma_start3A_69 : memref<1x!tpu.dma_semaphore, #tpu.memory_space<semaphore_mem>> -> memref<!tpu.dma_semaphore, #tpu.memory_space<semaphore_mem>>
      %dma_start3A_71 = arith.constant 0 : i32
      %dma_start3A_72 = arith.constant 0 : i32
      %dma_start3A_73 = tpu.memref_slice %arg9[%get3A_56, %dma_start3A_71, %dma_start3A_72] : memref<4x1024x768xf32, #tpu.memory_space<vmem>> -> memref<1x1024x768xf32, #tpu.memory_space<vmem>>
      %dma_start3A_74 = tpu.memref_squeeze %dma_start3A_73 : memref<1x1024x768xf32, #tpu.memory_space<vmem>> -> memref<1024x768xf32, #tpu.memory_space<vmem>>
      %dma_start3A_75 = arith.constant 0 : i32
      %dma_start3A_76 = arith.constant 0 : i32
      %dma_start3A_77 = tpu.memref_slice %arg6[%get3A_59, %dma_start3A_75, %dma_start3A_76] : memref<64x1024x768xf32, #tpu.memory_space<any>> -> memref<1x1024x768xf32, #tpu.memory_space<any>>
      %dma_start3A_78 = tpu.memref_squeeze %dma_start3A_77 : memref<1x1024x768xf32, #tpu.memory_space<any>> -> memref<1024x768xf32, #tpu.memory_space<any>>
      tpu.enqueue_dma source(%dma_start3A_78 : memref<1024x768xf32, #tpu.memory_space<any>>) target(%dma_start3A_74 : memref<1024x768xf32, #tpu.memory_space<vmem>>) target_semaphore(%dma_start3A_70 : memref<!tpu.dma_semaphore, #tpu.memory_space<semaphore_mem>>)
    } else {
    }
    %get3A_17 = arith.index_cast %arg0 : i32 to index
    %get3A_18 = arith.constant 5 : index
    %get3A_19 = memref.load %arg1[%get3A_17, %get3A_18] : memref<80x8xi32, #tpu.memory_space<smem>>
    %get3A_20 = arith.index_cast %arg0 : i32 to index
    %get3A_21 = arith.constant 1 : index
    %get3A_22 = memref.load %arg1[%get3A_20, %get3A_21] : memref<80x8xi32, #tpu.memory_space<smem>>
    %get3A_23 = arith.index_cast %arg0 : i32 to index
    %get3A_24 = arith.constant 4 : index
    %get3A_25 = memref.load %arg1[%get3A_23, %get3A_24] : memref<80x8xi32, #tpu.memory_space<smem>>
    %eq3A_26 = arith.constant 1 : i32
    %eq3A_27 = arith.cmpi eq, %get3A_25, %eq3A_26 : i32
    %convert_element_type3A_28 = arith.extui %eq3A_27 : i1 to i32
    %cond3A_29 = arith.constant 0 : i32
    %cond3A_30 = arith.cmpi ne, %convert_element_type3A_28, %cond3A_29 : i32
    scf.if %cond3A_30 {
      %dma_wait3A = tpu.memref_slice %arg10[%get3A_19] : memref<4x!tpu.dma_semaphore, #tpu.memory_space<semaphore_mem>> -> memref<1x!tpu.dma_semaphore, #tpu.memory_space<semaphore_mem>>
      %dma_wait3A_54 = tpu.memref_squeeze %dma_wait3A : memref<1x!tpu.dma_semaphore, #tpu.memory_space<semaphore_mem>> -> memref<!tpu.dma_semaphore, #tpu.memory_space<semaphore_mem>>
      %dma_wait3A_55 = arith.constant 0 : i32
      %dma_wait3A_56 = arith.constant 0 : i32
      %dma_wait3A_57 = tpu.memref_slice %arg8[%get3A_19, %dma_wait3A_55, %dma_wait3A_56] : memref<4x768x1024xf32, #tpu.memory_space<vmem>> -> memref<1x768x1024xf32, #tpu.memory_space<vmem>>
      %dma_wait3A_58 = tpu.memref_squeeze %dma_wait3A_57 : memref<1x768x1024xf32, #tpu.memory_space<vmem>> -> memref<768x1024xf32, #tpu.memory_space<vmem>>
      %dma_wait3A_59 = arith.constant 0 : i32
      %dma_wait3A_60 = arith.constant 0 : i32
      %dma_wait3A_61 = tpu.memref_slice %arg5[%get3A_22, %dma_wait3A_59, %dma_wait3A_60] : memref<64x768x1024xf32, #tpu.memory_space<any>> -> memref<1x768x1024xf32, #tpu.memory_space<any>>
      %dma_wait3A_62 = tpu.memref_squeeze %dma_wait3A_61 : memref<1x768x1024xf32, #tpu.memory_space<any>> -> memref<768x1024xf32, #tpu.memory_space<any>>
      tpu.wait_dma2 semaphore(%dma_wait3A_54 : memref<!tpu.dma_semaphore, #tpu.memory_space<semaphore_mem>>) src(%dma_wait3A_62 : memref<768x1024xf32, #tpu.memory_space<any>>) dst(%dma_wait3A_58 : memref<768x1024xf32, #tpu.memory_space<vmem>>)
      %dma_wait3A_63 = tpu.memref_slice %arg11[%get3A_19] : memref<4x!tpu.dma_semaphore, #tpu.memory_space<semaphore_mem>> -> memref<1x!tpu.dma_semaphore, #tpu.memory_space<semaphore_mem>>
      %dma_wait3A_64 = tpu.memref_squeeze %dma_wait3A_63 : memref<1x!tpu.dma_semaphore, #tpu.memory_space<semaphore_mem>> -> memref<!tpu.dma_semaphore, #tpu.memory_space<semaphore_mem>>
      %dma_wait3A_65 = arith.constant 0 : i32
      %dma_wait3A_66 = arith.constant 0 : i32
      %dma_wait3A_67 = tpu.memref_slice %arg9[%get3A_19, %dma_wait3A_65, %dma_wait3A_66] : memref<4x1024x768xf32, #tpu.memory_space<vmem>> -> memref<1x1024x768xf32, #tpu.memory_space<vmem>>
      %dma_wait3A_68 = tpu.memref_squeeze %dma_wait3A_67 : memref<1x1024x768xf32, #tpu.memory_space<vmem>> -> memref<1024x768xf32, #tpu.memory_space<vmem>>
      %dma_wait3A_69 = arith.constant 0 : i32
      %dma_wait3A_70 = arith.constant 0 : i32
      %dma_wait3A_71 = tpu.memref_slice %arg6[%get3A_22, %dma_wait3A_69, %dma_wait3A_70] : memref<64x1024x768xf32, #tpu.memory_space<any>> -> memref<1x1024x768xf32, #tpu.memory_space<any>>
      %dma_wait3A_72 = tpu.memref_squeeze %dma_wait3A_71 : memref<1x1024x768xf32, #tpu.memory_space<any>> -> memref<1024x768xf32, #tpu.memory_space<any>>
      tpu.wait_dma2 semaphore(%dma_wait3A_64 : memref<!tpu.dma_semaphore, #tpu.memory_space<semaphore_mem>>) src(%dma_wait3A_72 : memref<1024x768xf32, #tpu.memory_space<any>>) dst(%dma_wait3A_68 : memref<1024x768xf32, #tpu.memory_space<vmem>>)
    } else {
    }
    %eq3A_31 = arith.constant 0 : i32
    %eq3A_32 = arith.cmpi eq, %arg0, %eq3A_31 : i32
    %get3A_33 = arith.index_cast %arg0 : i32 to index
    %get3A_34 = arith.constant 0 : index
    %get3A_35 = memref.load %arg1[%get3A_33, %get3A_34] : memref<80x8xi32, #tpu.memory_space<smem>>
    %sub3A_36 = arith.constant 1 : i32
    %sub3A_37 = arith.subi %arg0, %sub3A_36 : i32
    %max3A = arith.constant 0 : i32
    %max3A_38 = arith.maxsi %sub3A_37, %max3A : i32
    %get3A_39 = arith.index_cast %max3A_38 : i32 to index
    %get3A_40 = arith.constant 0 : index
    %get3A_41 = memref.load %arg1[%get3A_39, %get3A_40] : memref<80x8xi32, #tpu.memory_space<smem>>
    %ne3A = arith.cmpi ne, %get3A_35, %get3A_41 : i32
    %or3A = arith.ori %eq3A_32, %ne3A : i1
    %get3A_42 = arith.index_cast %arg0 : i32 to index
    %get3A_43 = arith.constant 2 : index
    %get3A_44 = memref.load %arg1[%get3A_42, %get3A_43] : memref<80x8xi32, #tpu.memory_space<smem>>
    %get3A_45 = arith.index_cast %arg0 : i32 to index
    %get3A_46 = arith.constant 3 : index
    %get3A_47 = memref.load %arg1[%get3A_45, %get3A_46] : memref<80x8xi32, #tpu.memory_space<smem>>
    %convert_element_type3A_48 = arith.extui %or3A : i1 to i32
    %cond3A_49 = arith.constant 0 : i32
    %cond3A_50 = arith.cmpi ne, %convert_element_type3A_48, %cond3A_49 : i32
    scf.if %cond3A_50 {
      %broadcast_in_dim3A = arith.constant 0.000000e+00 : f32
      %broadcast_in_dim3A_54 = vector.broadcast %broadcast_in_dim3A : f32 to vector<128x768xf32>
      %swap3A = arith.constant 0 : index
      %swap3A_55 = arith.constant 0 : index
      %swap3A_56 = vector.load %arg7[%swap3A, %swap3A_55] : memref<128x768xf32, #tpu.memory_space<vmem>>, vector<128x768xf32>
      tpu.vector_store %arg7[%swap3A, %swap3A_55], %broadcast_in_dim3A_54 {strides = array<i32>} : memref<128x768xf32, #tpu.memory_space<vmem>>, vector<128x768xf32>,
    } else {
    }
    %gt3A = arith.cmpi sgt, %get3A_47, %get3A_44 : i32
    %convert_element_type3A_51 = arith.extui %gt3A : i1 to i32
    %cond3A_52 = arith.constant 0 : i32
    %cond3A_53 = arith.cmpi ne, %convert_element_type3A_51, %cond3A_52 : i32
    scf.if %cond3A_53 {
      %iota3A = tpu.iota {dimensions = array<i32: 0>} : vector<128x1xi32>
      %ge3A = vector.broadcast %get3A_44 : i32 to vector<128x1xi32>
      %ge3A_54 = arith.cmpi sge, %iota3A, %ge3A : vector<128x1xi32>
      %lt3A_55 = vector.broadcast %get3A_47 : i32 to vector<128x1xi32>
      %lt3A_56 = arith.cmpi slt, %iota3A, %lt3A_55 : vector<128x1xi32>
      %and3A_57 = arith.andi %ge3A_54, %lt3A_56 : vector<128x1xi1>
      %jit3A = arith.constant 1.000000e+00 : f32
      %jit3A_58 = arith.constant 0.000000e+00 : f32
      %broadcast_in_dim3A = vector.broadcast %jit3A : f32 to vector<128x1xf32>
      %broadcast_in_dim3A_59 = vector.broadcast %jit3A_58 : f32 to vector<128x1xf32>
      %select_n3A = arith.select %and3A_57, %broadcast_in_dim3A, %broadcast_in_dim3A_59 : vector<128x1xi1>, vector<128x1xf32>
      %get3A_60 = arith.constant 0 : index
      %get3A_61 = arith.constant 0 : index
      %get3A_62 = vector.load %arg2[%get3A_60, %get3A_61] : memref<128x768xf32, #tpu.memory_space<vmem>>, vector<128x768xf32>
      %get3A_63 = arith.index_cast %get3A_19 : i32 to index
      %get3A_64 = arith.constant 0 : index
      %get3A_65 = arith.constant 0 : index
      %get3A_66 = vector.load %arg8[%get3A_63, %get3A_64, %get3A_65] : memref<4x768x1024xf32, #tpu.memory_space<vmem>>, vector<1x768x1024xf32>
      %get3A_67 = vector.shape_cast %get3A_66 : vector<1x768x1024xf32> to vector<768x1024xf32>
      %dot_general3A = arith.constant dense<0.000000e+00> : vector<128x1024xf32>
      %dot_general3A_68 = tpu.matmul %get3A_62, %get3A_67, %dot_general3A {dimension_numbers = #tpu.dot_dimension_numbers<[1], [0], [0], [1], [0, 0, 1, 1], [], []>, transpose_lhs_hint = false} : vector<128x768xf32>, vector<768x1024xf32>, vector<128x1024xf32> -> vector<128x1024xf32>
      %get3A_69 = arith.index_cast %get3A_22 : i32 to index
      %get3A_70 = arith.constant 0 : index
      %get3A_71 = vector.load %arg3[%get3A_69, %get3A_70] : memref<64x1024xf32, #tpu.memory_space<vmem>>, vector<1x1024xf32>
      %add3A_72 = vector.broadcast %get3A_71 : vector<1x1024xf32> to vector<128x1024xf32>
      %add3A_73 = arith.addf %dot_general3A_68, %add3A_72 : vector<128x1024xf32>
      %integer_pow3A = arith.mulf %add3A_73, %add3A_73 : vector<128x1024xf32>
      %integer_pow3A_74 = arith.mulf %add3A_73, %integer_pow3A : vector<128x1024xf32>
      %mul3A = arith.constant 4.471500e-02 : f32
      %mul3A_75 = vector.broadcast %mul3A : f32 to vector<128x1024xf32>
      %mul3A_76 = arith.mulf %mul3A_75, %integer_pow3A_74 : vector<128x1024xf32>
      %add3A_77 = arith.addf %add3A_73, %mul3A_76 : vector<128x1024xf32>
      %mul3A_78 = arith.constant 0.797884583 : f32
      %mul3A_79 = vector.broadcast %mul3A_78 : f32 to vector<128x1024xf32>
      %mul3A_80 = arith.mulf %mul3A_79, %add3A_77 : vector<128x1024xf32>
      %tanh3A = math.tanh %mul3A_80 : vector<128x1024xf32>
      %add3A_81 = arith.constant 1.000000e+00 : f32
      %add3A_82 = vector.broadcast %add3A_81 : f32 to vector<128x1024xf32>
      %add3A_83 = arith.addf %add3A_82, %tanh3A : vector<128x1024xf32>
      %mul3A_84 = arith.constant 5.000000e-01 : f32
      %mul3A_85 = vector.broadcast %mul3A_84 : f32 to vector<128x1024xf32>
      %mul3A_86 = arith.mulf %mul3A_85, %add3A_83 : vector<128x1024xf32>
      %mul3A_87 = arith.mulf %add3A_73, %mul3A_86 : vector<128x1024xf32>
      %get3A_88 = arith.index_cast %get3A_19 : i32 to index
      %get3A_89 = arith.constant 0 : index
      %get3A_90 = arith.constant 0 : index
      %get3A_91 = vector.load %arg9[%get3A_88, %get3A_89, %get3A_90] : memref<4x1024x768xf32, #tpu.memory_space<vmem>>, vector<1x1024x768xf32>
      %get3A_92 = vector.shape_cast %get3A_91 : vector<1x1024x768xf32> to vector<1024x768xf32>
      %dot_general3A_93 = arith.constant dense<0.000000e+00> : vector<128x768xf32>
      %dot_general3A_94 = tpu.matmul %mul3A_87, %get3A_92, %dot_general3A_93 {dimension_numbers = #tpu.dot_dimension_numbers<[1], [0], [0], [1], [0, 0, 1, 1], [], []>, transpose_lhs_hint = false} : vector<128x1024xf32>, vector<1024x768xf32>, vector<128x768xf32> -> vector<128x768xf32>
      %get3A_95 = arith.index_cast %get3A_22 : i32 to index
      %get3A_96 = arith.constant 0 : index
      %get3A_97 = vector.load %arg4[%get3A_95, %get3A_96] : memref<64x768xf32, #tpu.memory_space<vmem>>, vector<1x768xf32>
      %add3A_98 = vector.broadcast %get3A_97 : vector<1x768xf32> to vector<128x768xf32>
      %add3A_99 = arith.addf %dot_general3A_94, %add3A_98 : vector<128x768xf32>
      %get3A_100 = arith.constant 0 : index
      %get3A_101 = arith.constant 0 : index
      %get3A_102 = vector.load %arg7[%get3A_100, %get3A_101] : memref<128x768xf32, #tpu.memory_space<vmem>>, vector<128x768xf32>
      %mul3A_103 = vector.broadcast %select_n3A : vector<128x1xf32> to vector<128x768xf32>
      %mul3A_104 = arith.mulf %mul3A_103, %add3A_99 : vector<128x768xf32>
      %add3A_105 = arith.addf %get3A_102, %mul3A_104 : vector<128x768xf32>
      %swap3A = arith.constant 0 : index
      %swap3A_106 = arith.constant 0 : index
      %swap3A_107 = vector.load %arg7[%swap3A, %swap3A_106] : memref<128x768xf32, #tpu.memory_space<vmem>>, vector<128x768xf32>
      tpu.vector_store %arg7[%swap3A, %swap3A_106], %add3A_105 {strides = array<i32>} : memref<128x768xf32, #tpu.memory_space<vmem>>, vector<128x768xf32>,
    } else {
    }
    return
  }
  func.func @transform_0(%arg0: i32, %arg1: memref<80x8xi32, #tpu.memory_space<smem>>) -> (i32, i32) {
    %get3A = arith.index_cast %arg0 : i32 to index
    %get3A_0 = arith.constant 0 : index
    %get3A_1 = memref.load %arg1[%get3A, %get3A_0] : memref<80x8xi32, #tpu.memory_space<smem>>
    %c0_i32 = arith.constant 0 : i32
    %c0_i32_2 = arith.constant 0 : i32
    return %get3A_1, %c0_i32 : i32, i32
  }
  func.func @transform_1(%arg0: i32, %arg1: memref<80x8xi32, #tpu.memory_space<smem>>) -> (i32, i32) {
    %c0_i32 = arith.constant 0 : i32
    %c0_i32_0 = arith.constant 0 : i32
    %c0_i32_1 = arith.constant 0 : i32
    return %c0_i32, %c0_i32_0 : i32, i32
  }
  func.func @transform_2(%arg0: i32, %arg1: memref<80x8xi32, #tpu.memory_space<smem>>) -> (i32, i32) {
    %c0_i32 = arith.constant 0 : i32
    %c0_i32_0 = arith.constant 0 : i32
    %c0_i32_1 = arith.constant 0 : i32
    return %c0_i32, %c0_i32_0 : i32, i32
  }
  func.func @transform_5(%arg0: i32, %arg1: memref<80x8xi32, #tpu.memory_space<smem>>) -> (i32, i32) {
    %get3A = arith.index_cast %arg0 : i32 to index
    %get3A_0 = arith.constant 0 : index
    %get3A_1 = memref.load %arg1[%get3A, %get3A_0] : memref<80x8xi32, #tpu.memory_space<smem>>
    %c0_i32 = arith.constant 0 : i32
    %c0_i32_2 = arith.constant 0 : i32
    return %get3A_1, %c0_i32 : i32, i32
  }
}

</mosaic_0001>

<sc_bundles>
// kernel: kernel.6.cloned.1.call-start
scs
__scs_entry_jumppad:
0x0: {  	(pc) =	sbr.rel $0x88, $3  }
0x1: {  	(tag) =	ssettag $0x0;
	lr =	simm.s32 $0x1  }
0x2: {  	[smem:$0x3F9A] =	sst lr;
	_ =	strace $0xD0000000  }
0x3: {  	_ = 	snop  }
0x4: {  	_ = 	snop  }
0x5: {  	_ = 	snop  }
0x6: {  	_ = 	snop  }
0x7: {  	_ = 	snop  }
__scs_overlays_trampoline_lowered:
0x8: {  	[smem:$0x3FA9] =	sst s0  }
0x9: {  	[smem:$0x3FAA] =	sst s1  }
0xa: {  	[smem:$0x3FAB] =	sst s2  }
0xb: {  	[smem:$0x3FAC] =	sst s3  }
0xc: {  	[smem:$0x3FAD] =	sst s4  }
0xd: {  	[smem:$0x3FAE] =	sst s5  }
0xe: {  	[smem:$0x3FAF] =	sst s6  }
0xf: {  	[smem:$0x3FB0] =	sst s7  }
0x10: {  	[smem:$0x3FB1] =	sst s8  }
0x11: {  	[smem:$0x3FB2] =	sst s9;
	s0 =	simm.s32 @!p0 $0x0  }
0x12: {  	s1 =	sld [smem:$0x3F98];
	s0 =	simm.s32 @p0 $0x1  }
0x13: {  	[smem:$0x3FB3] =	sst s0;
	s0 =	simm.s32 @!p1 $0x0  }
0x14: {  	s2 =	sld [smem:$0x3F97];
	s0 =	simm.s32 @p1 $0x1  }
0x15: {  	[smem:$0x3FB4] =	sst s0;
	s0 =	simm.s32 @!p2 $0x0  }
0x16: {  	s3 =	sld [smem:$0x3FDB];
	s0 =	simm.s32 @p2 $0x1  }
0x17: {  	s4 =	simm.s32 $0x1BF5;
	[smem:$0x3FB6] =	sst s0  }
0x18: {  	s0 =	sld [smem:$0x3F99];
	_ =	swait.ge [sflag:s4], $0x0  }
0x19: {  	s7 =	sld [smem:$0x3F9A]  }
0x1a: {  	s8 =	sadd.s32 $0xFFFFE003, lr  }
0x1b: {  	s9 =	sadd.s32 $0xFFFFFEF7, lr;
	s5 =	simm.s32 $0xFFFFFFFF;
	p2 =	slt.u32 s8, $0xFFFFF086  }
0x1c: {  	p1 =	slt.u32 s9, $0xF7A;
	s5 =	simm.s32 @!p2 $0x0  }
0x1d: {  	s5 =	simm.s32 @p1 $0x1;
	p0 =	seq.s32 s7, s2  }
0x1e: {  	s7 =	smul.u32 @!p0 $0xF7A, s2;
	p2 =	seq.s32 @!p0 s5, $0x0  }
0x1f: {  	s9 =	smul.u32 $0xF7A, s1;
	s8 =	simm.s32 @!p0 $0x1BF5;
	p2 =	por !p2, p0  }
0x20: {  	[sflag:s8] =	ssyncset.s32 @!p0 $0xFFFFF086;
	s6 =	sadd.s32 @!p0 s3, s7;
	s7 =	simm.s32 @!p0 $0x108  }
0x21: {  	s3 =	sadd.s32 s3, s9;
	s6 =	sadd.s32 @!p0 $0x88, s6;
	s7 =	simm.s32 @p2 $0x1082  }
0x22: {  	[simem:s7], [sflag:s8] =	dma.local @!p0 [hbm:s6], $0xF7A  }
0x23: {  	s9 =	sor.u32 $0xD0000000, s2;
	s6 =	simm.s32 $0x108;
	_ =	swait.ge @!p0 [sflag:s8], $0x0  }
0x24: {  	s3 =	sadd.s32 $0x88, s3;
	s6 =	simm.s32 @!p1 $0x1082;
	[sflag:s4] =	ssyncset.s32 $0xFFFFF086  }
0x25: {  	[simem:s6], [sflag:s4] =	dma.local [hbm:s3], $0xF7A  }
0x26: {  	[smem:$0x3F9A] =	sst s1;
	(tag) =	ssettag s2;
	_ =	strace s9  }
0x27: {  	s1 =	sld [smem:$0x3FAA]  }
0x28: {  	s2 =	sld [smem:$0x3FAB]  }
0x29: {  	s4 =	sld [smem:$0x3FAD]  }
0x2a: {  	p0 =	seq.s32 s5, $0x0;
	s5 =	sld [smem:$0x3FAE]  }
0x2b: {  	s6 =	sld [smem:$0x3FAF]  }
0x2c: {  	s7 =	sld [smem:$0x3FB0]  }
0x2d: {  	s3 =	simm.s32 $0x108;
	s8 =	sld [smem:$0x3FB1]  }
0x2e: {  	s3 =	simm.s32 @!p0 $0x1082;
	s9 =	sld [smem:$0x3FB2]  }
0x2f: {  	lr =	sadd.s32 s0, s3;
	s0 =	sld [smem:$0x3FA9]  }
0x30: {  	s3 =	sld [smem:$0x3FAC]  }
0x31: {  	[smem:$0x3FB5] =	sst s10  }
0x32: {  	s10 =	sld [smem:$0x3FB3];
	_ =	sdelay $0x3  }
0x33: {  	p0 =	seq.s32 s10, $0x1;
	s10 =	sld [smem:$0x3FB5];
	_ =	sdelay $0x3  }
0x34: {  	[smem:$0x3FB5] =	sst s10  }
0x35: {  	s10 =	sld [smem:$0x3FB4];
	_ =	sdelay $0x3  }
0x36: {  	p1 =	seq.s32 s10, $0x1;
	s10 =	sld [smem:$0x3FB5];
	_ =	sdelay $0x3  }
0x37: {  	[smem:$0x3FB5] =	sst s10  }
0x38: {  	s10 =	sld [smem:$0x3FB6]  }
0x39: {  	_ = 	snop;
	(pc) =	sbr.ind lr, $3  }
0x3a: {  	_ = 	snop  }
0x3b: {  	_ = 	snop  }
0x3c: {  	p2 =	seq.s32 s10, $0x1;
	s10 =	sld [smem:$0x3FB5]  }
0x3d: {  	_ =	shalt  }
0x3e: {  	_ =	shalt  }
0x3f: {  	_ =	shalt  }
0x40: {  	_ =	shalt  }
0x41: {  	_ =	shalt  }
0x42: {  	_ =	shalt  }
0x43: {  	_ =	shalt  }
0x44: {  	_ =	shalt  }
0x45: {  	_ =	shalt  }
0x46: {  	_ =	shalt  }
0x47: {  	_ =	shalt  }
0x48: {  	_ =	shalt  }
0x49: {  	_ =	shalt  }
0x4a: {  	_ =	shalt  }
0x4b: {  	_ =	shalt  }
0x4c: {  	_ =	shalt  }
0x4d: {  	_ =	shalt  }
0x4e: {  	_ =	shalt  }
0x4f: {  	_ =	shalt  }
0x50: {  	_ =	shalt  }
0x51: {  	_ =	shalt  }
0x52: {  	_ =	shalt  }
0x53: {  	_ =	shalt  }
0x54: {  	_ =	shalt  }
0x55: {  	_ =	shalt  }
0x56: {  	_ =	shalt  }
0x57: {  	_ =	shalt  }
0x58: {  	_ =	shalt  }
0x59: {  	_ =	shalt  }
0x5a: {  	_ =	shalt  }
0x5b: {  	_ =	shalt  }
0x5c: {  	_ =	shalt  }
0x5d: {  	_ =	shalt  }
0x5e: {  	_ =	shalt  }
0x5f: {  	_ =	shalt  }
0x60: {  	_ =	shalt  }
0x61: {  	_ =	shalt  }
0x62: {  	_ =	shalt  }
0x63: {  	_ =	shalt  }
0x64: {  	_ =	shalt  }
0x65: {  	_ =	shalt  }
0x66: {  	_ =	shalt  }
0x67: {  	_ =	shalt  }
0x68: {  	_ =	shalt  }
0x69: {  	_ =	shalt  }
0x6a: {  	_ =	shalt  }
0x6b: {  	_ =	shalt  }
0x6c: {  	_ =	shalt  }
0x6d: {  	_ =	shalt  }
0x6e: {  	_ =	shalt  }
0x6f: {  	_ =	shalt  }
0x70: {  	_ =	shalt  }
0x71: {  	_ =	shalt  }
0x72: {  	_ =	shalt  }
0x73: {  	_ =	shalt  }
0x74: {  	_ =	shalt  }
0x75: {  	_ =	shalt  }
0x76: {  	_ =	shalt  }
0x77: {  	_ =	shalt  }
0x78: {  	_ =	shalt  }
0x79: {  	_ =	shalt  }
0x7a: {  	_ =	shalt  }
0x7b: {  	_ =	shalt  }
0x7c: {  	_ =	shalt  }
0x7d: {  	_ =	shalt  }
0x7e: {  	_ =	shalt  }
0x7f: {  	_ =	shalt  }
0x80: {  	_ =	shalt  }
0x81: {  	_ =	shalt  }
0x82: {  	_ =	shalt  }
0x83: {  	_ =	shalt  }
0x84: {  	_ =	shalt  }
0x85: {  	_ =	shalt  }
0x86: {  	_ =	shalt  }
0x87: {  	_ =	shalt  }
.Lfunc_end0:
.L_simem_size_0:
called_computation_lowered:
.L_overlay_start_0:
0x88: {  	s2 =	sld [smem:$0x3FD9]  }
0x89: {  	s3 =	sld [smem:$0x3FFE];
	_ =	sdelay $0x1  }
0x8a: {  	s1 =	srdreg.scid  }
0x8b: {  	s0 =	sand.u32 $0x1, s1  }
0x8c: {  	s14 =	sshll.u32 s0, $0xA;
	s2 =	sadd.s32 s3, s2  }
0x8d: {  	s2 =	sadd.s32 s2, s14  }
0x8e: {  	[smem:$0x3FC1] =	sst s2  }
0x8f: {  	_ = 	snop  }
0x90: {  	s2 =	sld [smem:$0x3FD0];
	_ =	sdelay $0x2  }
0x91: {  	s4 =	simm.s32 $0xA;
	s5 =	simm.s32 $0x10;
	s15 =	sld [smem:$0x3FC9]  }
0x92: {  	[smem:s5], [sflag:s4] =	dma.local [hbm:s2], $0x1  }
0x93: {  	_ =	swait.eq [sflag:s4], $0x1  }
0x94: {  	[sflag:s4] =	ssyncset.done $0x0  }
0x95: {  	[sflag:s4] =	ssyncadd.s32 $0xFFFFFFFF  }
0x96: {  	s16 =	sld [smem:$0x10];
	(tm) =	ssettm $0x1  }
0x97: {  	s17 =	sld [smem:$0x3FFB];
	_ =	sdelay $0x3  }
0x98: {  	_ =	strace s17  }
0x99: {  	s4 =	sld [smem:$0x3FFC];
	_ =	sdelay $0x3  }
0x9a: {  	_ =	strace s4  }
0x9b: {  	s4 =	sld [smem:$0x3FFD];
	_ =	sdelay $0x3  }
0x9c: {  	_ =	strace s4  }
0x9d: {  	_ =	strace $0x8FFFFFFF  }
0x9e: {  	s18 =	sld [smem:$0x3FDB];
	_ =	sdelay $0x1  }
0x9f: {  	s19 =	simm.s32 $_scs_section_size  }
0xa0: {  	s6 =	simm.s32 $_size__tile_overlayer_lowered;
	s7 =	simm.s32 $_tile_overlayer_lowered  }
0xa1: {  	s22 =	simm.s32 $0x1BFF;
	s21 =	sshll.u32 s7, $0x1;
	s4 =	sadd.s32 s19, s18  }
0xa2: {  	s8 =	simm.s32 $0x0;
	s20 =	sshll.u32 s6, $0x1;
	s6 =	sadd.s32 s21, s4  }
0xa3: {  	[timem:s8], [sflag:s22] =	dma.local [hbm:s6], s20  }
0xa4: {  	_ =	swait.ge [sflag:s22], s20  }
0xa5: {  	s5 =	ssub.s32 $0x0, s20;
	[sflag:s22] =	ssyncset.done $0x0  }
0xa6: {  	[sflag:s22] =	ssyncadd.s32 s5;
	_ =	sdelay $0x1  }
0xa7: {  	s23 =	simm.s32 $0x1B8B  }
0xa8: {  	_ =	swait.ge [sflag:s23], $0x1  }
0xa9: {  	[sflag:s23] =	ssyncset.done $0x0  }
0xaa: {  	s25 =	simm.s32 $0x1B8E;
	s24 =	sld [smem:$0x3FFE];
	[sflag:s23] =	ssyncadd.s32 $0xFFFFFFFF  }
0xab: {  	s26 =	simm.s32 $execute0_lowered;
	[smem:$0x3FD2] =	sst s25  }
0xac: {  	s6 =	sshll.u32 s26, $0x1;
	_ =	strace $0x80000046;
	[dreg:$0x1] =	wrdreg $0xFFFFFFFF  }
0xad: {  	s28 =	simm.s32 $_size_execute0_lowered;
	s4 =	sadd.s32 s4, s6;
	[dreg:$0x0] =	wrdreg $0x0  }
0xae: {  	s6 =	sshll.u32 s28, $0x1;
	[dreg:$0x2] =	wrdreg s4  }
0xaf: {  	[dreg:$0x3] =	wrdreg s6  }
0xb0: {  	[dreg:$0x4] =	wrdreg $0xC0  }
0xb1: {  	_ =	task [dreg:s8], $0x5FFFF  }
0xb2: {  	[dreg:$0x1] =	wrdreg $0xFFFFFFFF  }
0xb3: {  	[dreg:$0x0] =	wrdreg $0x60  }
0xb4: {  	[dreg:$0x2] =	wrdreg s15  }
0xb5: {  	[dreg:$0x3] =	wrdreg s24  }
0xb6: {  	[dreg:$0x4] =	wrdreg s16  }
0xb7: {  	[dreg:$0x5] =	wrdreg $0x9  }
0xb8: {  	_ =	task.clear_ibuf [dreg:s8], $0x6FFFF;
	_ =	strace $0x90000046  }
0xb9: {  	s29 =	simm.s32 $0x9;
	_ =	strace $0x80000048  }
0xba: {  	_ =	swait.ge [sflag:s29], $0x1  }
0xbb: {  	[sflag:s29] =	ssyncadd.s32 $0xFFFFFFFF  }
0xbc: {  	_ =	strace $0x90000048  }
0xbd: {  	_ =	sfence  }
0xbe: {  	s30 =	sld [smem:$0x0];
	_ =	sdelay $0x2  }
0xbf: {  	s31 =	sshll.u32 s1, $0xD;
	s1 =	sshrl.u32 s1, $0x2  }
0xc0: {  	s3 =	sand.u32 $0x4000, s31;
	s1 =	sadd.s32 s1, s30  }
0xc1: {  	s0 =	sor.u32 s3, s0;
	s1 =	sshll.u32 s1, $0x11  }
0xc2: {  	s0 =	sor.u32 s1, s0  }
0xc3: {  	s0 =	sadd.s32 $0x8F2B, s0  }
0xc4: {  	[sflag:s0] =	ssyncadd.remote.s32 $0x1  }
0xc5: {  	_ =	sfence.sel $0xFFFF  }
0xc6: {  	[dreg:$0x0] =	wrdreg $0xFFFFFFFF;
	(pc) =	sbr.abs _section_cstart, $3  }
0xc7: {  	[dreg:$0x1] =	wrdreg $0xFFFFFFFF  }
0xc8: {  	_ =	task.clear_ibuf [dreg:s8], $0x2FFFF;
	_ =	strace $0x9FFFFFFF  }
0xc9: {  	(tm) =	ssettm $0x7FFFFFFF  }
tec
execute0_lowered:
.L_overlay_start_1:
0x0: {  	(tag) =	ssettag $0x1  }
0x1: {  	s1 =	rddreg [dreg:$0x0]  }
0x2: {  	s2 =	srdreg.scid;
	s4 =	rddreg [dreg:$0x1]  }
0x3: {  	s0 =	stileid.u32;
	s3 =	simm.s32 $0x0;
	s8 =	simm.s32 $0x80  }
0x4: {  	s26 =	simm.s32 $0x880;
	s9 =	simm.s32 $0x1080;
	s10 =	simm.s32 $0x1880  }
0x5: {  	s11 =	simm.s32 $0x2080;
	s12 =	simm.s32 $0x2880;
	s13 =	simm.s32 $0x3080  }
0x6: {  	s14 =	simm.s32 $0x3880;
	s15 =	simm.s32 $0x4080;
	s16 =	simm.s32 $0x4880  }
0x7: {  	s17 =	simm.s32 $0x5080;
	s18 =	simm.s32 $0x5880;
	s19 =	simm.s32 $0x6080  }
0x8: {  	s20 =	simm.s32 $0x6880;
	s21 =	simm.s32 $0x7080;
	s22 =	simm.s32 $0x7880  }
0x9: {  	s23 =	simm.s32 $0x8080;
	s28 =	simm.s32 $0xA080;
	s29 =	simm.s32 $0xA880  }
0xa: {  	s30 =	simm.s32 $0xB080;
	s5 =	sand.u32 $0x1, s2;
	s2 =	rddreg [dreg:$0x2]  }
0xb: {  	s31 =	simm.s32 $0xB880;
	s6 =	sshll.u32 s0, $0x4;
	[smem:$0x7FF] =	sst s3  }
0xc: {  	s7 =	sshll.u32 s5, $0x3;
	_ =	strace $0x80000047;
	s5 =	ssub.s32 $0x2, s5  }
0xd: {  	[dreg:$0x6] =	wrdreg s26;
	s26 =	simm.s32 $0x9880;
	s6 =	sor.u32 s7, s6  }
0xe: {  	s24 =	sshrl.u32 s5, $0x1;
	s7 =	simm.s32 $0x2;
	s4 =	sadd.s32 s6, s4  }
0xf: {  	s6 =	smul.u32 $0x300, s6;
	s25 =	ssub.s32 s5, s24;
	s4 =	sadd.s32 $0xA00, s4  }
0x10: {  	v2 =	vlaneseq.u32;
	s5 =	sadd.s32 $0x200, s2;
	s24 =	simm.s32 $0x8880;
	[dreg:$0x4] =	wrdreg s4  }
0x11: {  	vm0 =	vmmov $0xffff;
	v1 =	vshrl.u32 v2, $0x3;
	s1 =	sadd.s32 s1, s6;
	s4 =	sadd.s32 $0x100, s2;
	s6 =	smax.u32 s25, $0x1  }
0x12: {  	v0 =	vand.u32 $0x7, v2;
	v2 =	vor.u32 $0x8, v2;
	v1 =	vmul.u32 $0x8, v1;
	s25 =	simm.s32 $0x9080;
	[dreg:$0x5] =	wrdreg s1;
	s1 =	simm.s32 $0x1  }
.LBB2_1:
0x13: {  	s0 =	rddreg [dreg:$0x4]  }
0x14: {  	[tilespmem:s3], [sflag:$0x2] =	stream.linear.gather [hbm4b:s0+s3], $0x40, $0x38;
	[tilespmem:$0xC080] =	vst v63  }
0x15: {  	_ =	swait.ge [sflag:s7], $0x40  }
0x16: {  	[sflag:s7] =	ssyncset.done $0x0  }
0x17: {  	s0 =	rddreg [dreg:$0x5];
	[sflag:s7] =	ssyncadd.s32 $0xFFFFFFC0  }
0x18: {  	[tilespmem:s8], [sflag:$0x2] =	stream.linear.gather [hbm4b:s0+s3], $0xC000, $0x38;
	[tilespmem:$0xC080] =	vst v63  }
0x19: {  	_ =	swait.ge [sflag:s7], $0xC000  }
0x1a: {  	[sflag:s7] =	ssyncset.done $0x0  }
0x1b: {  	[sflag:s7] =	ssyncadd.s32 $0xFFFF4000  }
0x1c: {  	v3 =	vld [tilespmem:$0x0];
	_ =	sdelay $0x4  }
0x1d: {  	v4 =	vshrl.u32 v3, $0x3  }
0x1e: {  	v4 =	vmul.u32 $0x30, v4  }
0x1f: {  	v3 =	vand.u32 $0x7, v3  }
0x20: {  	v3 =	vor.u32 v3, v4  }
0x21: {  	v4 =	vperm.xlane v3, v0;
	_ =	sdelay $0x1  }
0x22: {  	v4 =	vadd.s32 v1, v4;
	_ =	sdelay $0x3  }
0x23: {  	v3 =	vperm.xlane v3, v2  }
0x24: {  	[hbm4b:s2+s3] =	stream.indirect_vreg.scatter [tilespmem:s8], [sflag:$0x1], $0x80, v4, vm0, $0xb8;
	[tilespmem:$0xC080] =	vst v63  }
0x25: {  	s0 =	rddreg [dreg:$0x6];
	v3 =	vadd.s32 v1, v3  }
0x26: {  	[hbm4b:s4+s3] =	stream.indirect_vreg.scatter [tilespmem:s0], [sflag:$0x1], $0x80, v4, vm0, $0xb8;
	[tilespmem:$0xC080] =	vst v63  }
0x27: {  	_ = 	snop  }
0x28: {  	[hbm4b:s5+s3] =	stream.indirect_vreg.scatter [tilespmem:s9], [sflag:$0x1], $0x80, v4, vm0, $0xb8;
	[tilespmem:$0xC080] =	vst v63  }
0x29: {  	_ = 	snop  }
0x2a: {  	[hbm4b:s2+s3] =	stream.indirect_vreg.scatter [tilespmem:s10], [sflag:$0x1], $0x80, v3, vm0, $0xb8;
	[tilespmem:$0xC080] =	vst v63  }
0x2b: {  	_ = 	snop  }
0x2c: {  	[hbm4b:s4+s3] =	stream.indirect_vreg.scatter [tilespmem:s11], [sflag:$0x1], $0x80, v3, vm0, $0xb8;
	[tilespmem:$0xC080] =	vst v63  }
0x2d: {  	_ = 	snop  }
0x2e: {  	[hbm4b:s5+s3] =	stream.indirect_vreg.scatter [tilespmem:s12], [sflag:$0x1], $0x80, v3, vm0, $0xb8;
	[tilespmem:$0xC080] =	vst v63  }
0x2f: {  	v3 =	vld [tilespmem:$0x10];
	_ =	sdelay $0x4  }
0x30: {  	v61 =	vshrl.u32 v3, $0x3  }
0x31: {  	v4 =	vmul.u32 $0x30, v61  }
0x32: {  	v3 =	vand.u32 $0x7, v3  }
0x33: {  	v3 =	vor.u32 v3, v4  }
0x34: {  	v4 =	vperm.xlane v3, v0;
	_ =	sdelay $0x1  }
0x35: {  	v4 =	vadd.s32 v1, v4;
	_ =	sdelay $0x3  }
0x36: {  	v3 =	vperm.xlane v3, v2  }
0x37: {  	[hbm4b:s2+s3] =	stream.indirect_vreg.scatter [tilespmem:s13], [sflag:$0x1], $0x80, v4, vm0, $0xb8;
	[tilespmem:$0xC080] =	vst v63  }
0x38: {  	v3 =	vadd.s32 v1, v3  }
0x39: {  	[hbm4b:s4+s3] =	stream.indirect_vreg.scatter [tilespmem:s14], [sflag:$0x1], $0x80, v4, vm0, $0xb8;
	[tilespmem:$0xC080] =	vst v63  }
0x3a: {  	_ = 	snop  }
0x3b: {  	[hbm4b:s5+s3] =	stream.indirect_vreg.scatter [tilespmem:s15], [sflag:$0x1], $0x80, v4, vm0, $0xb8;
	[tilespmem:$0xC080] =	vst v63  }
0x3c: {  	_ = 	snop  }
0x3d: {  	[hbm4b:s2+s3] =	stream.indirect_vreg.scatter [tilespmem:s16], [sflag:$0x1], $0x80, v3, vm0, $0xb8;
	[tilespmem:$0xC080] =	vst v63  }
0x3e: {  	_ = 	snop  }
0x3f: {  	[hbm4b:s4+s3] =	stream.indirect_vreg.scatter [tilespmem:s17], [sflag:$0x1], $0x80, v3, vm0, $0xb8;
	[tilespmem:$0xC080] =	vst v63  }
0x40: {  	_ = 	snop  }
0x41: {  	[hbm4b:s5+s3] =	stream.indirect_vreg.scatter [tilespmem:s18], [sflag:$0x1], $0x80, v3, vm0, $0xb8;
	[tilespmem:$0xC080] =	vst v63  }
0x42: {  	v3 =	vld [tilespmem:$0x20];
	_ =	sdelay $0x4  }
0x43: {  	v62 =	vshrl.u32 v3, $0x3  }
0x44: {  	v4 =	vmul.u32 $0x30, v62  }
0x45: {  	v3 =	vand.u32 $0x7, v3  }
0x46: {  	v3 =	vor.u32 v3, v4  }
0x47: {  	v4 =	vperm.xlane v3, v0;
	_ =	sdelay $0x1  }
0x48: {  	v4 =	vadd.s32 v1, v4;
	_ =	sdelay $0x3  }
0x49: {  	v3 =	vperm.xlane v3, v2  }
0x4a: {  	[hbm4b:s2+s3] =	stream.indirect_vreg.scatter [tilespmem:s19], [sflag:$0x1], $0x80, v4, vm0, $0xb8;
	[tilespmem:$0xC080] =	vst v63  }
0x4b: {  	v3 =	vadd.s32 v1, v3  }
0x4c: {  	[hbm4b:s4+s3] =	stream.indirect_vreg.scatter [tilespmem:s20], [sflag:$0x1], $0x80, v4, vm0, $0xb8;
	[tilespmem:$0xC080] =	vst v63  }
0x4d: {  	_ = 	snop  }
0x4e: {  	[hbm4b:s5+s3] =	stream.indirect_vreg.scatter [tilespmem:s21], [sflag:$0x1], $0x80, v4, vm0, $0xb8;
	[tilespmem:$0xC080] =	vst v63  }
0x4f: {  	_ = 	snop  }
0x50: {  	[hbm4b:s2+s3] =	stream.indirect_vreg.scatter [tilespmem:s22], [sflag:$0x1], $0x80, v3, vm0, $0xb8;
	[tilespmem:$0xC080] =	vst v63  }
0x51: {  	_ = 	snop  }
0x52: {  	[hbm4b:s4+s3] =	stream.indirect_vreg.scatter [tilespmem:s23], [sflag:$0x1], $0x80, v3, vm0, $0xb8;
	[tilespmem:$0xC080] =	vst v63  }
0x53: {  	_ = 	snop  }
0x54: {  	[hbm4b:s5+s3] =	stream.indirect_vreg.scatter [tilespmem:s24], [sflag:$0x1], $0x80, v3, vm0, $0xb8;
	[tilespmem:$0xC080] =	vst v63  }
0x55: {  	v3 =	vld [tilespmem:$0x30];
	_ =	sdelay $0x4  }
0x56: {  	v63 =	vshrl.u32 v3, $0x3  }
0x57: {  	v4 =	vmul.u32 $0x30, v63  }
0x58: {  	v3 =	vand.u32 $0x7, v3  }
0x59: {  	v3 =	vor.u32 v3, v4  }
0x5a: {  	v4 =	vperm.xlane v3, v0;
	_ =	sdelay $0x1  }
0x5b: {  	v4 =	vadd.s32 v1, v4;
	_ =	sdelay $0x3  }
0x5c: {  	v3 =	vperm.xlane v3, v2  }
0x5d: {  	[hbm4b:s2+s3] =	stream.indirect_vreg.scatter [tilespmem:s25], [sflag:$0x1], $0x80, v4, vm0, $0xb8;
	[tilespmem:$0xC080] =	vst v63  }
0x5e: {  	v3 =	vadd.s32 v1, v3  }
0x5f: {  	[hbm4b:s4+s3] =	stream.indirect_vreg.scatter [tilespmem:s26], [sflag:$0x1], $0x80, v4, vm0, $0xb8;
	[tilespmem:$0xC080] =	vst v63  }
0x60: {  	_ = 	snop  }
0x61: {  	[hbm4b:s5+s3] =	stream.indirect_vreg.scatter [tilespmem:s28], [sflag:$0x1], $0x80, v4, vm0, $0xb8;
	[tilespmem:$0xC080] =	vst v63  }
0x62: {  	_ = 	snop  }
0x63: {  	[hbm4b:s2+s3] =	stream.indirect_vreg.scatter [tilespmem:s29], [sflag:$0x1], $0x80, v3, vm0, $0xb8;
	[tilespmem:$0xC080] =	vst v63  }
0x64: {  	p0 =	sne.s32 s6, $0x1  }
0x65: {  	[hbm4b:s4+s3] =	stream.indirect_vreg.scatter [tilespmem:s30], [sflag:$0x1], $0x80, v3, vm0, $0xb8;
	[tilespmem:$0xC080] =	vst v63  }
.Ltmp0:
0x66: {  	_ = 	snop;
	(pc) =	sbr.rel @p0 .LBB2_1-.Ltmp0, $4  }
0x67: {  	[hbm4b:s5+s3] =	stream.indirect_vreg.scatter [tilespmem:s31], [sflag:$0x1], $0x80, v3, vm0, $0xb8;
	[tilespmem:$0xC080] =	vst v63  }
0x68: {  	_ =	swait.ge [sflag:s1], $0xC000  }
0x69: {  	[sflag:s1] =	ssyncset.done $0x0  }
0x6a: {  	s6 =	sadd.s32 $0xFFFFFFFF, s6;
	[sflag:s1] =	ssyncadd.s32 $0xFFFF4000  }
0x6b: {  	_ =	sfence.sel $0x180000  }
0x6c: {  	[bflag:$0x0] =	sbarrier.arrive $0xFFFF  }
0x6d: {  	_ =	strace $0x90000047  }
0x6e: {  	s0 =	stileid.u32;
	[bflag:$0x2] =	sbarrier.arrive $0xFFFF  }
0x6f: {  	p0 =	sne.s32 s0, $0x0;
	s0 =	rddreg [dreg:$0x3]  }
0x70: {  	s0 =	sadd.s32 @!p0 $0x100000, s0  }
0x71: {  	[sflag:s0] =	ssyncadd.tile.s32 @!p0 $0x1;
	_ =	shalt  }
.Lfunc_end2:
_tile_overlayer_lowered:
.L_overlay_start_2:
0x72: {  	(tag) =	ssettag $0x2  }
0x73: {  	s0 =	rddreg [dreg:$0x0];
	s2 =	stileid.u32  }
0x74: {  	s1 =	rddreg [dreg:$0x1];
	p0 =	sne.s32 s2, $0x0  }
0x75: {  	s3 =	rddreg [dreg:$0x2];
	[bflag:$0x3] =	sbarrier.arrive $0xFFFF;
	s2 =	simm.s32 @!p0 $0x1C02  }
0x76: {  	[timem:s3], [sflag:s2] =	dma.local @!p0 [hbm:s0], s1  }
0x77: {  	s0 =	simm.s32 @!p0 $0x2  }
0x78: {  	_ =	swait.ge @!p0 [sflag:s0], s1  }
0x79: {  	s1 =	ssub.s32 @!p0 $0x0, s1;
	[sflag:s0] =	ssyncset.done @!p0 $0x0  }
0x7a: {  	[sflag:s0] =	ssyncadd.s32 @!p0 s1  }
0x7b: {  	[bflag:$0x3] =	sbarrier.arrive $0xFFFF  }
0x7c: {  	_ =	shalt  }

// kernel: kernel.9.cloned.1.call-start
scs
__scs_entry_jumppad:
0x0: {  	(pc) =	sbr.rel $0x88, $3  }
0x1: {  	(tag) =	ssettag $0x0;
	lr =	simm.s32 $0x1  }
0x2: {  	[smem:$0x3F9A] =	sst lr;
	_ =	strace $0xD0000000  }
0x3: {  	_ = 	snop  }
0x4: {  	_ = 	snop  }
0x5: {  	_ = 	snop  }
0x6: {  	_ = 	snop  }
0x7: {  	_ = 	snop  }
__scs_overlays_trampoline_lowered:
0x8: {  	[smem:$0x3FA9] =	sst s0  }
0x9: {  	[smem:$0x3FAA] =	sst s1  }
0xa: {  	[smem:$0x3FAB] =	sst s2  }
0xb: {  	[smem:$0x3FAC] =	sst s3  }
0xc: {  	[smem:$0x3FAD] =	sst s4  }
0xd: {  	[smem:$0x3FAE] =	sst s5  }
0xe: {  	[smem:$0x3FAF] =	sst s6  }
0xf: {  	[smem:$0x3FB0] =	sst s7  }
0x10: {  	[smem:$0x3FB1] =	sst s8  }
0x11: {  	[smem:$0x3FB2] =	sst s9;
	s0 =	simm.s32 @!p0 $0x0  }
0x12: {  	s1 =	sld [smem:$0x3F98];
	s0 =	simm.s32 @p0 $0x1  }
0x13: {  	[smem:$0x3FB3] =	sst s0;
	s0 =	simm.s32 @!p1 $0x0  }
0x14: {  	s2 =	sld [smem:$0x3F97];
	s0 =	simm.s32 @p1 $0x1  }
0x15: {  	[smem:$0x3FB4] =	sst s0;
	s0 =	simm.s32 @!p2 $0x0  }
0x16: {  	s3 =	sld [smem:$0x3FDB];
	s0 =	simm.s32 @p2 $0x1  }
0x17: {  	s4 =	simm.s32 $0x1BF5;
	[smem:$0x3FB6] =	sst s0  }
0x18: {  	s0 =	sld [smem:$0x3F99];
	_ =	swait.ge [sflag:s4], $0x0  }
0x19: {  	s7 =	sld [smem:$0x3F9A]  }
0x1a: {  	s8 =	sadd.s32 $0xFFFFE003, lr  }
0x1b: {  	s9 =	sadd.s32 $0xFFFFFEF7, lr;
	s5 =	simm.s32 $0xFFFFFFFF;
	p2 =	slt.u32 s8, $0xFFFFF086  }
0x1c: {  	p1 =	slt.u32 s9, $0xF7A;
	s5 =	simm.s32 @!p2 $0x0  }
0x1d: {  	s5 =	simm.s32 @p1 $0x1;
	p0 =	seq.s32 s7, s2  }
0x1e: {  	s7 =	smul.u32 @!p0 $0xF7A, s2;
	p2 =	seq.s32 @!p0 s5, $0x0  }
0x1f: {  	s9 =	smul.u32 $0xF7A, s1;
	s8 =	simm.s32 @!p0 $0x1BF5;
	p2 =	por !p2, p0  }
0x20: {  	[sflag:s8] =	ssyncset.s32 @!p0 $0xFFFFF086;
	s6 =	sadd.s32 @!p0 s3, s7;
	s7 =	simm.s32 @!p0 $0x108  }
0x21: {  	s3 =	sadd.s32 s3, s9;
	s6 =	sadd.s32 @!p0 $0x88, s6;
	s7 =	simm.s32 @p2 $0x1082  }
0x22: {  	[simem:s7], [sflag:s8] =	dma.local @!p0 [hbm:s6], $0xF7A  }
0x23: {  	s9 =	sor.u32 $0xD0000000, s2;
	s6 =	simm.s32 $0x108;
	_ =	swait.ge @!p0 [sflag:s8], $0x0  }
0x24: {  	s3 =	sadd.s32 $0x88, s3;
	s6 =	simm.s32 @!p1 $0x1082;
	[sflag:s4] =	ssyncset.s32 $0xFFFFF086  }
0x25: {  	[simem:s6], [sflag:s4] =	dma.local [hbm:s3], $0xF7A  }
0x26: {  	[smem:$0x3F9A] =	sst s1;
	(tag) =	ssettag s2;
	_ =	strace s9  }
0x27: {  	s1 =	sld [smem:$0x3FAA]  }
0x28: {  	s2 =	sld [smem:$0x3FAB]  }
0x29: {  	s4 =	sld [smem:$0x3FAD]  }
0x2a: {  	p0 =	seq.s32 s5, $0x0;
	s5 =	sld [smem:$0x3FAE]  }
0x2b: {  	s6 =	sld [smem:$0x3FAF]  }
0x2c: {  	s7 =	sld [smem:$0x3FB0]  }
0x2d: {  	s3 =	simm.s32 $0x108;
	s8 =	sld [smem:$0x3FB1]  }
0x2e: {  	s3 =	simm.s32 @!p0 $0x1082;
	s9 =	sld [smem:$0x3FB2]  }
0x2f: {  	lr =	sadd.s32 s0, s3;
	s0 =	sld [smem:$0x3FA9]  }
0x30: {  	s3 =	sld [smem:$0x3FAC]  }
0x31: {  	[smem:$0x3FB5] =	sst s10  }
0x32: {  	s10 =	sld [smem:$0x3FB3];
	_ =	sdelay $0x3  }
0x33: {  	p0 =	seq.s32 s10, $0x1;
	s10 =	sld [smem:$0x3FB5];
	_ =	sdelay $0x3  }
0x34: {  	[smem:$0x3FB5] =	sst s10  }
0x35: {  	s10 =	sld [smem:$0x3FB4];
	_ =	sdelay $0x3  }
0x36: {  	p1 =	seq.s32 s10, $0x1;
	s10 =	sld [smem:$0x3FB5];
	_ =	sdelay $0x3  }
0x37: {  	[smem:$0x3FB5] =	sst s10  }
0x38: {  	s10 =	sld [smem:$0x3FB6]  }
0x39: {  	_ = 	snop;
	(pc) =	sbr.ind lr, $3  }
0x3a: {  	_ = 	snop  }
0x3b: {  	_ = 	snop  }
0x3c: {  	p2 =	seq.s32 s10, $0x1;
	s10 =	sld [smem:$0x3FB5]  }
0x3d: {  	_ =	shalt  }
0x3e: {  	_ =	shalt  }
0x3f: {  	_ =	shalt  }
0x40: {  	_ =	shalt  }
0x41: {  	_ =	shalt  }
0x42: {  	_ =	shalt  }
0x43: {  	_ =	shalt  }
0x44: {  	_ =	shalt  }
0x45: {  	_ =	shalt  }
0x46: {  	_ =	shalt  }
0x47: {  	_ =	shalt  }
0x48: {  	_ =	shalt  }
0x49: {  	_ =	shalt  }
0x4a: {  	_ =	shalt  }
0x4b: {  	_ =	shalt  }
0x4c: {  	_ =	shalt  }
0x4d: {  	_ =	shalt  }
0x4e: {  	_ =	shalt  }
0x4f: {  	_ =	shalt  }
0x50: {  	_ =	shalt  }
0x51: {  	_ =	shalt  }
0x52: {  	_ =	shalt  }
0x53: {  	_ =	shalt  }
0x54: {  	_ =	shalt  }
0x55: {  	_ =	shalt  }
0x56: {  	_ =	shalt  }
0x57: {  	_ =	shalt  }
0x58: {  	_ =	shalt  }
0x59: {  	_ =	shalt  }
0x5a: {  	_ =	shalt  }
0x5b: {  	_ =	shalt  }
0x5c: {  	_ =	shalt  }
0x5d: {  	_ =	shalt  }
0x5e: {  	_ =	shalt  }
0x5f: {  	_ =	shalt  }
0x60: {  	_ =	shalt  }
0x61: {  	_ =	shalt  }
0x62: {  	_ =	shalt  }
0x63: {  	_ =	shalt  }
0x64: {  	_ =	shalt  }
0x65: {  	_ =	shalt  }
0x66: {  	_ =	shalt  }
0x67: {  	_ =	shalt  }
0x68: {  	_ =	shalt  }
0x69: {  	_ =	shalt  }
0x6a: {  	_ =	shalt  }
0x6b: {  	_ =	shalt  }
0x6c: {  	_ =	shalt  }
0x6d: {  	_ =	shalt  }
0x6e: {  	_ =	shalt  }
0x6f: {  	_ =	shalt  }
0x70: {  	_ =	shalt  }
0x71: {  	_ =	shalt  }
0x72: {  	_ =	shalt  }
0x73: {  	_ =	shalt  }
0x74: {  	_ =	shalt  }
0x75: {  	_ =	shalt  }
0x76: {  	_ =	shalt  }
0x77: {  	_ =	shalt  }
0x78: {  	_ =	shalt  }
0x79: {  	_ =	shalt  }
0x7a: {  	_ =	shalt  }
0x7b: {  	_ =	shalt  }
0x7c: {  	_ =	shalt  }
0x7d: {  	_ =	shalt  }
0x7e: {  	_ =	shalt  }
0x7f: {  	_ =	shalt  }
0x80: {  	_ =	shalt  }
0x81: {  	_ =	shalt  }
0x82: {  	_ =	shalt  }
0x83: {  	_ =	shalt  }
0x84: {  	_ =	shalt  }
0x85: {  	_ =	shalt  }
0x86: {  	_ =	shalt  }
0x87: {  	_ =	shalt  }
.Lfunc_end0:
.L_simem_size_0:
called_computation.1_lowered:
.L_overlay_start_0:
0x88: {  	s2 =	sld [smem:$0x3FD9]  }
0x89: {  	s3 =	sld [smem:$0x3FFE];
	_ =	sdelay $0x1  }
0x8a: {  	s1 =	srdreg.scid  }
0x8b: {  	s0 =	sand.u32 $0x1, s1  }
0x8c: {  	s14 =	sshll.u32 s0, $0xA;
	s2 =	sadd.s32 s3, s2  }
0x8d: {  	s2 =	sadd.s32 s2, s14  }
0x8e: {  	[smem:$0x3FC1] =	sst s2  }
0x8f: {  	_ = 	snop  }
0x90: {  	s2 =	sld [smem:$0x3FD0];
	_ =	sdelay $0x2  }
0x91: {  	s15 =	simm.s32 $0xA;
	s4 =	simm.s32 $0x10  }
0x92: {  	[smem:s4], [sflag:s15] =	dma.local [hbm:s2], $0x1  }
0x93: {  	_ =	swait.eq [sflag:s15], $0x1  }
0x94: {  	[sflag:s15] =	ssyncset.done $0x0  }
0x95: {  	[sflag:s15] =	ssyncadd.s32 $0xFFFFFFFF  }
0x96: {  	s16 =	sld [smem:$0x10];
	(tm) =	ssettm $0x1  }
0x97: {  	s17 =	sld [smem:$0x3FFB];
	_ =	sdelay $0x3  }
0x98: {  	_ =	strace s17  }
0x99: {  	s3 =	sld [smem:$0x3FFC];
	_ =	sdelay $0x3  }
0x9a: {  	_ =	strace s3  }
0x9b: {  	s3 =	sld [smem:$0x3FFD];
	_ =	sdelay $0x3  }
0x9c: {  	_ =	strace s3  }
0x9d: {  	_ =	strace $0x8FFFFFFF  }
0x9e: {  	s18 =	sld [smem:$0x3FDB];
	_ =	sdelay $0x1  }
0x9f: {  	s19 =	simm.s32 $_scs_section_size  }
0xa0: {  	s5 =	simm.s32 $_size__tile_overlayer_lowered;
	s6 =	simm.s32 $_tile_overlayer_lowered  }
0xa1: {  	s22 =	simm.s32 $0x1BFF;
	s21 =	sshll.u32 s6, $0x1;
	s3 =	sadd.s32 s19, s18  }
0xa2: {  	s7 =	simm.s32 $0x0;
	s20 =	sshll.u32 s5, $0x1;
	s5 =	sadd.s32 s21, s3  }
0xa3: {  	[timem:s7], [sflag:s22] =	dma.local [hbm:s5], s20  }
0xa4: {  	_ =	swait.ge [sflag:s22], s20  }
0xa5: {  	s4 =	ssub.s32 $0x0, s20;
	[sflag:s22] =	ssyncset.done $0x0  }
0xa6: {  	[sflag:s22] =	ssyncadd.s32 s4;
	_ =	sdelay $0x1  }
0xa7: {  	s23 =	simm.s32 $0x1B8B  }
0xa8: {  	_ =	swait.ge [sflag:s23], $0x1  }
0xa9: {  	[sflag:s23] =	ssyncset.done $0x0  }
0xaa: {  	s25 =	simm.s32 $0x1B8E;
	s24 =	sld [smem:$0x3FFE];
	[sflag:s23] =	ssyncadd.s32 $0xFFFFFFFF  }
0xab: {  	s26 =	simm.s32 $execute0_lowered;
	[smem:$0x3FD2] =	sst s25  }
0xac: {  	s5 =	sshll.u32 s26, $0x1;
	_ =	strace $0x80000049;
	[dreg:$0x1] =	wrdreg $0xFFFFFFFF  }
0xad: {  	s28 =	simm.s32 $_size_execute0_lowered;
	s3 =	sadd.s32 s3, s5;
	[dreg:$0x0] =	wrdreg $0x0  }
0xae: {  	s5 =	sshll.u32 s28, $0x1;
	[dreg:$0x2] =	wrdreg s3  }
0xaf: {  	[dreg:$0x3] =	wrdreg s5  }
0xb0: {  	[dreg:$0x4] =	wrdreg $0xC0  }
0xb1: {  	_ =	task [dreg:s7], $0x5FFFF  }
0xb2: {  	[dreg:$0x1] =	wrdreg $0xFFFFFFFF  }
0xb3: {  	[dreg:$0x0] =	wrdreg $0x60  }
0xb4: {  	[dreg:$0x2] =	wrdreg s16  }
0xb5: {  	[dreg:$0x3] =	wrdreg s24  }
0xb6: {  	[dreg:$0x4] =	wrdreg $0x9  }
0xb7: {  	_ =	task.clear_ibuf [dreg:s7], $0x5FFFF;
	_ =	strace $0x90000049  }
0xb8: {  	s29 =	simm.s32 $0x9;
	_ =	strace $0x8000004B  }
0xb9: {  	_ =	swait.ge [sflag:s29], $0x1  }
0xba: {  	[sflag:s29] =	ssyncadd.s32 $0xFFFFFFFF  }
0xbb: {  	_ =	strace $0x9000004B  }
0xbc: {  	_ =	sfence  }
0xbd: {  	s30 =	sld [smem:$0x0];
	_ =	sdelay $0x2  }
0xbe: {  	s31 =	sshll.u32 s1, $0xD;
	s1 =	sshrl.u32 s1, $0x2  }
0xbf: {  	s3 =	sand.u32 $0x4000, s31;
	s1 =	sadd.s32 s1, s30  }
0xc0: {  	s0 =	sor.u32 s3, s0;
	s1 =	sshll.u32 s1, $0x11  }
0xc1: {  	s0 =	sor.u32 s1, s0  }
0xc2: {  	s0 =	sadd.s32 $0x8F2B, s0  }
0xc3: {  	[sflag:s0] =	ssyncadd.remote.s32 $0x1  }
0xc4: {  	_ =	sfence.sel $0xFFFF  }
0xc5: {  	[dreg:$0x0] =	wrdreg $0xFFFFFFFF;
	(pc) =	sbr.abs _section_cstart, $3  }
0xc6: {  	[dreg:$0x1] =	wrdreg $0xFFFFFFFF  }
0xc7: {  	_ =	task.clear_ibuf [dreg:s7], $0x2FFFF;
	_ =	strace $0x9FFFFFFF  }
0xc8: {  	(tm) =	ssettm $0x7FFFFFFF  }
0xc9: {  	_ =	shalt  }
tec
execute0_lowered:
.L_overlay_start_1:
0x0: {  	(tag) =	ssettag $0x1  }
0x1: {  	s1 =	srdreg.scid  }
0x2: {  	s2 =	rddreg [dreg:$0x0];
	s0 =	stileid.u32  }
0x3: {  	s4 =	rddreg [dreg:$0x1];
	s3 =	simm.s32 $0x0;
	s8 =	simm.s32 $0x80  }
0x4: {  	s26 =	simm.s32 $0x880;
	s9 =	simm.s32 $0x1080;
	s10 =	simm.s32 $0x1880  }
0x5: {  	s11 =	simm.s32 $0x2080;
	s12 =	simm.s32 $0x2880;
	s13 =	simm.s32 $0x3080  }
0x6: {  	s14 =	simm.s32 $0x3880;
	s15 =	simm.s32 $0x4080;
	s16 =	simm.s32 $0x4880  }
0x7: {  	s17 =	simm.s32 $0x5080;
	s18 =	simm.s32 $0x5880;
	s19 =	simm.s32 $0x6080  }
0x8: {  	s20 =	simm.s32 $0x6880;
	s21 =	simm.s32 $0x7080;
	s22 =	simm.s32 $0x7880  }
0x9: {  	s23 =	simm.s32 $0x8080;
	s24 =	simm.s32 $0x8880;
	s28 =	simm.s32 $0xA080  }
0xa: {  	s29 =	simm.s32 $0xA880;
	s30 =	simm.s32 $0xB080;
	s31 =	simm.s32 $0xB880  }
0xb: {  	s1 =	sand.u32 $0x1, s1;
	s5 =	sshll.u32 s0, $0x4;
	[smem:$0x7FF] =	sst s3  }
0xc: {  	s6 =	sshll.u32 s1, $0x3;
	s1 =	ssub.s32 $0x2, s1;
	_ =	strace $0x8000004A  }
0xd: {  	[dreg:$0x5] =	wrdreg s26;
	s26 =	simm.s32 $0x9880;
	s5 =	sor.u32 s6, s5  }
0xe: {  	s7 =	sshrl.u32 s1, $0x1;
	s6 =	smul.u32 $0x300, s5;
	s5 =	sadd.s32 s5, s4  }
0xf: {  	s1 =	ssub.s32 s1, s7;
	s7 =	simm.s32 $0x2;
	s25 =	sadd.s32 $0xA00, s5  }
0x10: {  	v2 =	vlaneseq.u32;
	s5 =	sadd.s32 $0x200, s2;
	s6 =	sadd.s32 s6, s4;
	[dreg:$0x3] =	wrdreg s25  }
0x11: {  	vm0 =	vmmov $0xffff;
	v1 =	vshrl.u32 v2, $0x3;
	s4 =	sadd.s32 $0x100, s2;
	s25 =	simm.s32 $0x9080;
	s6 =	sadd.s32 $0xC00, s6  }
0x12: {  	v0 =	vand.u32 $0x7, v2;
	v2 =	vor.u32 $0x8, v2;
	v1 =	vmul.u32 $0x8, v1;
	[dreg:$0x4] =	wrdreg s6;
	s6 =	smax.u32 s1, $0x1;
	s1 =	simm.s32 $0x1  }
.LBB2_1:
0x13: {  	s0 =	rddreg [dreg:$0x3]  }
0x14: {  	[tilespmem:s3], [sflag:$0x2] =	stream.linear.gather [hbm4b:s0+s3], $0x40, $0x38;
	[tilespmem:$0xC080] =	vst v63  }
0x15: {  	_ =	swait.ge [sflag:s7], $0x40  }
0x16: {  	[sflag:s7] =	ssyncset.done $0x0  }
0x17: {  	[sflag:s7] =	ssyncadd.s32 $0xFFFFFFC0  }
0x18: {  	v3 =	vld [tilespmem:$0x0];
	_ =	sdelay $0x4  }
0x19: {  	v4 =	vshrl.u32 v3, $0x3  }
0x1a: {  	v4 =	vmul.u32 $0x30, v4  }
0x1b: {  	v3 =	vand.u32 $0x7, v3  }
0x1c: {  	v3 =	vor.u32 v3, v4  }
0x1d: {  	v4 =	vperm.xlane v3, v0;
	_ =	sdelay $0x1  }
0x1e: {  	v4 =	vadd.s32 v1, v4;
	_ =	sdelay $0x3  }
0x1f: {  	v3 =	vperm.xlane v3, v2  }
0x20: {  	[tilespmem:s8], [sflag:$0x1] =	stream.indirect_vreg.gather [hbm4b:s2+s3], $0x80, v4, vm0, $0xb8;
	[tilespmem:$0xC080] =	vst v63  }
0x21: {  	s0 =	rddreg [dreg:$0x5];
	v3 =	vadd.s32 v1, v3  }
0x22: {  	[tilespmem:s0], [sflag:$0x1] =	stream.indirect_vreg.gather [hbm4b:s4+s3], $0x80, v4, vm0, $0xb8;
	[tilespmem:$0xC080] =	vst v63  }
0x23: {  	_ = 	snop  }
0x24: {  	[tilespmem:s9], [sflag:$0x1] =	stream.indirect_vreg.gather [hbm4b:s5+s3], $0x80, v4, vm0, $0xb8;
	[tilespmem:$0xC080] =	vst v63  }
0x25: {  	_ = 	snop  }
0x26: {  	[tilespmem:s10], [sflag:$0x1] =	stream.indirect_vreg.gather [hbm4b:s2+s3], $0x80, v3, vm0, $0xb8;
	[tilespmem:$0xC080] =	vst v63  }
0x27: {  	_ = 	snop  }
0x28: {  	[tilespmem:s11], [sflag:$0x1] =	stream.indirect_vreg.gather [hbm4b:s4+s3], $0x80, v3, vm0, $0xb8;
	[tilespmem:$0xC080] =	vst v63  }
0x29: {  	_ = 	snop  }
0x2a: {  	[tilespmem:s12], [sflag:$0x1] =	stream.indirect_vreg.gather [hbm4b:s5+s3], $0x80, v3, vm0, $0xb8;
	[tilespmem:$0xC080] =	vst v63  }
0x2b: {  	v3 =	vld [tilespmem:$0x10];
	_ =	sdelay $0x4  }
0x2c: {  	v61 =	vshrl.u32 v3, $0x3  }
0x2d: {  	v4 =	vmul.u32 $0x30, v61  }
0x2e: {  	v3 =	vand.u32 $0x7, v3  }
0x2f: {  	v3 =	vor.u32 v3, v4  }
0x30: {  	v4 =	vperm.xlane v3, v0;
	_ =	sdelay $0x1  }
0x31: {  	v4 =	vadd.s32 v1, v4;
	_ =	sdelay $0x3  }
0x32: {  	v3 =	vperm.xlane v3, v2  }
0x33: {  	[tilespmem:s13], [sflag:$0x1] =	stream.indirect_vreg.gather [hbm4b:s2+s3], $0x80, v4, vm0, $0xb8;
	[tilespmem:$0xC080] =	vst v63  }
0x34: {  	v3 =	vadd.s32 v1, v3  }
0x35: {  	[tilespmem:s14], [sflag:$0x1] =	stream.indirect_vreg.gather [hbm4b:s4+s3], $0x80, v4, vm0, $0xb8;
	[tilespmem:$0xC080] =	vst v63  }
0x36: {  	_ = 	snop  }
0x37: {  	[tilespmem:s15], [sflag:$0x1] =	stream.indirect_vreg.gather [hbm4b:s5+s3], $0x80, v4, vm0, $0xb8;
	[tilespmem:$0xC080] =	vst v63  }
0x38: {  	_ = 	snop  }
0x39: {  	[tilespmem:s16], [sflag:$0x1] =	stream.indirect_vreg.gather [hbm4b:s2+s3], $0x80, v3, vm0, $0xb8;
	[tilespmem:$0xC080] =	vst v63  }
0x3a: {  	_ = 	snop  }
0x3b: {  	[tilespmem:s17], [sflag:$0x1] =	stream.indirect_vreg.gather [hbm4b:s4+s3], $0x80, v3, vm0, $0xb8;
	[tilespmem:$0xC080] =	vst v63  }
0x3c: {  	_ = 	snop  }
0x3d: {  	[tilespmem:s18], [sflag:$0x1] =	stream.indirect_vreg.gather [hbm4b:s5+s3], $0x80, v3, vm0, $0xb8;
	[tilespmem:$0xC080] =	vst v63  }
0x3e: {  	v3 =	vld [tilespmem:$0x20];
	_ =	sdelay $0x4  }
0x3f: {  	v62 =	vshrl.u32 v3, $0x3  }
0x40: {  	v4 =	vmul.u32 $0x30, v62  }
0x41: {  	v3 =	vand.u32 $0x7, v3  }
0x42: {  	v3 =	vor.u32 v3, v4  }
0x43: {  	v4 =	vperm.xlane v3, v0;
	_ =	sdelay $0x1  }
0x44: {  	v4 =	vadd.s32 v1, v4;
	_ =	sdelay $0x3  }
0x45: {  	v3 =	vperm.xlane v3, v2  }
0x46: {  	[tilespmem:s19], [sflag:$0x1] =	stream.indirect_vreg.gather [hbm4b:s2+s3], $0x80, v4, vm0, $0xb8;
	[tilespmem:$0xC080] =	vst v63  }
0x47: {  	v3 =	vadd.s32 v1, v3  }
0x48: {  	[tilespmem:s20], [sflag:$0x1] =	stream.indirect_vreg.gather [hbm4b:s4+s3], $0x80, v4, vm0, $0xb8;
	[tilespmem:$0xC080] =	vst v63  }
0x49: {  	_ = 	snop  }
0x4a: {  	[tilespmem:s21], [sflag:$0x1] =	stream.indirect_vreg.gather [hbm4b:s5+s3], $0x80, v4, vm0, $0xb8;
	[tilespmem:$0xC080] =	vst v63  }
0x4b: {  	_ = 	snop  }
0x4c: {  	[tilespmem:s22], [sflag:$0x1] =	stream.indirect_vreg.gather [hbm4b:s2+s3], $0x80, v3, vm0, $0xb8;
	[tilespmem:$0xC080] =	vst v63  }
0x4d: {  	_ = 	snop  }
0x4e: {  	[tilespmem:s23], [sflag:$0x1] =	stream.indirect_vreg.gather [hbm4b:s4+s3], $0x80, v3, vm0, $0xb8;
	[tilespmem:$0xC080] =	vst v63  }
0x4f: {  	_ = 	snop  }
0x50: {  	[tilespmem:s24], [sflag:$0x1] =	stream.indirect_vreg.gather [hbm4b:s5+s3], $0x80, v3, vm0, $0xb8;
	[tilespmem:$0xC080] =	vst v63  }
0x51: {  	v3 =	vld [tilespmem:$0x30];
	_ =	sdelay $0x4  }
0x52: {  	v63 =	vshrl.u32 v3, $0x3  }
0x53: {  	v4 =	vmul.u32 $0x30, v63  }
0x54: {  	v3 =	vand.u32 $0x7, v3  }
0x55: {  	v3 =	vor.u32 v3, v4  }
0x56: {  	v4 =	vperm.xlane v3, v0;
	_ =	sdelay $0x1  }
0x57: {  	v4 =	vadd.s32 v1, v4;
	_ =	sdelay $0x3  }
0x58: {  	v3 =	vperm.xlane v3, v2  }
0x59: {  	[tilespmem:s25], [sflag:$0x1] =	stream.indirect_vreg.gather [hbm4b:s2+s3], $0x80, v4, vm0, $0xb8;
	[tilespmem:$0xC080] =	vst v63  }
0x5a: {  	v3 =	vadd.s32 v1, v3  }
0x5b: {  	[tilespmem:s26], [sflag:$0x1] =	stream.indirect_vreg.gather [hbm4b:s4+s3], $0x80, v4, vm0, $0xb8;
	[tilespmem:$0xC080] =	vst v63  }
0x5c: {  	_ = 	snop  }
0x5d: {  	[tilespmem:s28], [sflag:$0x1] =	stream.indirect_vreg.gather [hbm4b:s5+s3], $0x80, v4, vm0, $0xb8;
	[tilespmem:$0xC080] =	vst v63  }
0x5e: {  	_ = 	snop  }
0x5f: {  	[tilespmem:s29], [sflag:$0x1] =	stream.indirect_vreg.gather [hbm4b:s2+s3], $0x80, v3, vm0, $0xb8;
	[tilespmem:$0xC080] =	vst v63  }
0x60: {  	_ = 	snop  }
0x61: {  	[tilespmem:s30], [sflag:$0x1] =	stream.indirect_vreg.gather [hbm4b:s4+s3], $0x80, v3, vm0, $0xb8;
	[tilespmem:$0xC080] =	vst v63  }
0x62: {  	_ = 	snop  }
0x63: {  	[tilespmem:s31], [sflag:$0x1] =	stream.indirect_vreg.gather [hbm4b:s5+s3], $0x80, v3, vm0, $0xb8;
	[tilespmem:$0xC080] =	vst v63  }
0x64: {  	_ =	swait.ge [sflag:s1], $0xC000  }
0x65: {  	p0 =	sne.s32 s6, $0x1;
	[sflag:s1] =	ssyncset.done $0x0  }
.Ltmp0:
0x66: {  	s0 =	rddreg [dreg:$0x4];
	[sflag:s1] =	ssyncadd.s32 $0xFFFF4000;
	(pc) =	sbr.rel @p0 .LBB2_1-.Ltmp0, $4  }
0x67: {  	[hbm4b:s0+s3] =	stream.linear.scatter [tilespmem:s8], [sflag:$0x2], $0xC000, $0x38;
	[tilespmem:$0xC080] =	vst v63  }
0x68: {  	_ =	swait.ge [sflag:s7], $0xC000  }
0x69: {  	[sflag:s7] =	ssyncset.done $0x0  }
0x6a: {  	s6 =	sadd.s32 $0xFFFFFFFF, s6;
	[sflag:s7] =	ssyncadd.s32 $0xFFFF4000  }
0x6b: {  	_ =	sfence.sel $0x180000  }
0x6c: {  	[bflag:$0x0] =	sbarrier.arrive $0xFFFF  }
0x6d: {  	_ =	strace $0x9000004A  }
0x6e: {  	s0 =	stileid.u32;
	[bflag:$0x2] =	sbarrier.arrive $0xFFFF  }
0x6f: {  	p0 =	sne.s32 s0, $0x0;
	s0 =	rddreg [dreg:$0x2]  }
0x70: {  	s0 =	sadd.s32 @!p0 $0x100000, s0  }
0x71: {  	[sflag:s0] =	ssyncadd.tile.s32 @!p0 $0x1;
	_ =	shalt  }
.Lfunc_end2:
_tile_overlayer_lowered:
.L_overlay_start_2:
0x72: {  	(tag) =	ssettag $0x2  }
0x73: {  	s0 =	rddreg [dreg:$0x0];
	s2 =	stileid.u32  }
0x74: {  	s1 =	rddreg [dreg:$0x1];
	p0 =	sne.s32 s2, $0x0  }
0x75: {  	s3 =	rddreg [dreg:$0x2];
	[bflag:$0x3] =	sbarrier.arrive $0xFFFF;
	s2 =	simm.s32 @!p0 $0x1C02  }
0x76: {  	[timem:s3], [sflag:s2] =	dma.local @!p0 [hbm:s0], s1  }
0x77: {  	s0 =	simm.s32 @!p0 $0x2  }
0x78: {  	_ =	swait.ge @!p0 [sflag:s0], s1  }
0x79: {  	s1 =	ssub.s32 @!p0 $0x0, s1;
	[sflag:s0] =	ssyncset.done @!p0 $0x0  }
0x7a: {  	[sflag:s0] =	ssyncadd.s32 @!p0 s1  }
0x7b: {  	[bflag:$0x3] =	sbarrier.arrive $0xFFFF  }
0x7c: {  	_ =	shalt  }

</sc_bundles>
